<compile_context>
chip_gen: v7x
topology: tpu7x:2x2x1
jax: 0.10.2.dev20260603
libtpu: 0.0.44.dev20260713+nightly
codegen_flags: <defaults>
</compile_context>

<pallas_src>
import functools

import jax
import jax.numpy as jnp
import numpy as np
from jax import lax
from jax.experimental import pallas as pl
from jax.experimental.pallas import tpu as pltpu
from jax.experimental.pallas import tpu_sc as plsc

_NZ = _NY = _NX = 256
_NH = _NWOUT = 362
_NC, _NS, _L = 2, 16, 16
_RPW = 16
_NACT = 23
_ROWS_PAD = 384
_WPAD = 384
_CSTEPS = _WPAD // _L

_STEP = np.float32(2.0) / np.float32(_NH - 1)


def _slice_body(x2d_hbm, rot_hbm, shift_hbm, out_hbm,
                rot_v, shift_v, ridx_v, cidx_v, row_v, ob_v, sem):
    wid = lax.axis_index("s") * _NC + lax.axis_index("c")

    @pl.when(wid < _NACT)
    def _():
        pltpu.sync_copy(rot_hbm, rot_v)
        pltpu.sync_copy(shift_hbm, shift_v.at[pl.ds(8, 3)])

        lane = lax.iota(jnp.int32, _L)

        def splat_rot(i, j):
            return plsc.load_gather(
                rot_v,
                [jnp.full((_L,), i, jnp.int32), jnp.full((_L,), j, jnp.int32)],
            )

        def splat_shift(k):
            return plsc.load_gather(shift_v, [jnp.full((_L,), 8 + k, jnp.int32)])

        def bf16_rne(v):
            b = plsc.bitcast(v, jnp.uint32)
            r = b + jnp.uint32(0x7FFF) + ((b >> jnp.uint32(16)) & jnp.uint32(1))
            return plsc.bitcast(r & jnp.uint32(0xFFFF0000), jnp.float32)

        r01 = bf16_rne(splat_rot(0, 1))
        r11 = bf16_rne(splat_rot(1, 1))
        r22 = bf16_rne(splat_rot(2, 2))
        s0, s1, s2 = splat_shift(0), splat_shift(1), splat_shift(2)

        def axis_index_of(c):
            u = (c + 1.0) * 255.0 * 0.5
            u = jnp.minimum(jnp.maximum(u, 0.0), 255.0)
            h = u + 0.5
            i = h.astype(jnp.int32)
            half_odd = (i.astype(jnp.float32) == h) & ((i & 1) == 1)
            return jnp.where(half_odd, i - 1, i)

        rowf = (wid * _RPW + lane).astype(jnp.float32)
        ygb = bf16_rne(rowf * _STEP - 1.0)
        iz = axis_index_of(r01 * ygb + s0)
        iy = axis_index_of(r11 * ygb + s1)
        ridx_v[...] = iz * _NX + iy

        rows_cp = pltpu.make_async_copy(x2d_hbm.at[ridx_v], row_v, sem)
        rows_cp.start()

        def colstep(t, carry):
            colf = (t * _L + lane).astype(jnp.float32)
            xgb = bf16_rne(colf * _STEP - 1.0)
            cidx_v[pl.ds(t * _L, _L)] = axis_index_of(r22 * xgb + s2)
            return carry

        lax.fori_loop(0, _CSTEPS, colstep, 0, unroll=4)

        rows_cp.wait()

        ixs = [cidx_v[pl.ds(t * _L, _L)] for t in range(_CSTEPS)]

        def rowloop(k, carry):
            kvec = jnp.zeros((_L,), jnp.int32) + k
            for t in range(_CSTEPS):
                ob_v[k, pl.ds(t * _L, _L)] = plsc.load_gather(
                    row_v, [kvec, ixs[t]]
                )
            return carry

        lax.fori_loop(0, _RPW, rowloop, 0, unroll=2)

        pltpu.sync_copy(ob_v, out_hbm.at[pl.ds(wid * _RPW, _RPW)])


@jax.jit
def _slice_project(x2d, rot, shift):
    mesh = plsc.VectorSubcoreMesh(
        core_axis_name="c", subcore_axis_name="s", num_cores=_NC, num_subcores=_NS
    )
    k = functools.partial(
        pl.kernel,
        mesh=mesh,
        out_type=jax.ShapeDtypeStruct((_ROWS_PAD, _WPAD), jnp.float32),
        scratch_types=[
            pltpu.VMEM((3, 3), jnp.float32),
            pltpu.VMEM((16,), jnp.float32),
            pltpu.VMEM((_RPW,), jnp.int32),
            pltpu.VMEM((_WPAD,), jnp.int32),
            pltpu.VMEM((_RPW, _NX), jnp.float32),
            pltpu.VMEM((_RPW, _WPAD), jnp.float32),
            pltpu.SemaphoreType.DMA,
        ],
        compiler_params=pltpu.CompilerParams(
            needs_layout_passes=False, use_tc_tiling_on_sc=True
        ),
    )(_slice_body)
    return k(x2d, rot, shift)


def kernel(x, slice_rotation, slice_shift):
    x2d = x.reshape(_NZ * _NY, _NX)
    out = _slice_project(x2d, slice_rotation, slice_shift)
    return out[:_NH, :_NWOUT]

# --- scband reference (transcript-rebuilt; emitter-appended) ---
"""Pipeline reference for scband-slice-projection-op-79310866088174 (READ-ONLY COPY).

The authoritative reference and input builder live on the scoring server;
editing this copy changes nothing except your own understanding.
"""

import jax, jax.numpy as jnp
import numpy as np


def setup_inputs(seed: int = 0) -> dict:
    key = jax.random.key(seed)
    x = jax.random.normal(key, (256, 256, 256), dtype=jnp.float32)
    c, s = 0.8660254, 0.5
    slice_rotation = jnp.array([[c, -s, 0.0], [s, c, 0.0], [0.0, 0.0, 1.0]], dtype=jnp.float32)
    slice_shift = jnp.array([0.1, -0.05, 0.2], dtype=jnp.float32)
    return {"x": x, "slice_rotation": slice_rotation, "slice_shift": slice_shift}


def reference(x, slice_rotation, slice_shift):
    nz, ny, nx = x.shape
    nh = int(np.sqrt(ny * ny + nz * nz))
    nw = int(np.sqrt(nx * nx + nz * nz))
    yg, xg = jnp.meshgrid(jnp.linspace(-1.0, 1.0, nh), jnp.linspace(-1.0, 1.0, nw), indexing='ij')
    coords = jnp.stack([jnp.zeros_like(yg), yg, xg])
    coords = jnp.einsum('ij,jkl->ikl', slice_rotation, coords)
    coords = coords + slice_shift[:, None, None]
    scale = jnp.array([nz - 1, ny - 1, nx - 1], dtype=jnp.float32)[:, None, None]
    coords = (coords + 1.0) * scale / 2.0
    coords = jnp.clip(jnp.round(coords), 0.0, scale).astype(jnp.int32)
    # ravel_multi_index over (nz, ny, nx)
    vol_idx = (coords[0] * (ny * nx) + coords[1] * nx + coords[2]).reshape(-1)
    # slice indices: row-major ravel of the (nh, nw) grid
    slice_idx = jnp.arange(nh * nw, dtype=jnp.int32)
    vals = jnp.ones(nh * nw, dtype=jnp.float32)
    x_flat = x.reshape(-1)
    # sparse COO matvec: y[slice_idx] += vals * x[vol_idx]
    y_flat = jnp.zeros(nh * nw, dtype=x.dtype).at[slice_idx].add(vals * x_flat[vol_idx])
    return y_flat.reshape(nh, nw)

if __name__ == "__main__":
    import jax
    _d = setup_inputs()
    print(jax.jit(kernel)(*tuple(_d.values())))

</pallas_src>

<mosaic_0001>
#map = affine_map<(d0, d1) -> (0, 0)>
#map1 = affine_map<(d0, d1) -> (0)>
module attributes {stable_mosaic.version = 14 : i64} {
  func.func @_slice_body(%arg0: i32, %arg1: i32, %arg2: memref<65536x256xf32, #tpu.memory_space<hbm>>, %arg3: memref<3x3xf32, #tpu.memory_space<hbm>>, %arg4: memref<3xf32, #tpu.memory_space<hbm>>, %arg5: memref<384x384xf32, #tpu.memory_space<hbm>>, %arg6: memref<3x3xf32, #tpu.memory_space<vmem>>, %arg7: memref<16xf32, #tpu.memory_space<vmem>>, %arg8: memref<16xi32, #tpu.memory_space<vmem>>, %arg9: memref<384xi32, #tpu.memory_space<vmem>>, %arg10: memref<16x256xf32, #tpu.memory_space<vmem>>, %arg11: memref<16x384xf32, #tpu.memory_space<vmem>>, %arg12: memref<!tpu.dma_semaphore, #tpu.memory_space<semaphore_mem>>) attributes {dimension_semantics = [#tpu.dimension_semantics<core_parallel>, #tpu.dimension_semantics<subcore_parallel>], iteration_bounds = array<i64: 2, 16>, scalar_prefetch = 0 : i64, scratch_operands = 7 : i64, tpu.core_type = #tpu.core_type<sc_vector_subcore>, window_params = [{transform_indices = #map}, {transform_indices = #map}, {transform_indices = #map1}, {transform_indices = #map}]} {
    %mul3A = arith.constant 2 : i32
    %mul3A_0 = arith.muli %arg1, %mul3A : i32
    %add3A = arith.addi %mul3A_0, %arg0 : i32
    %lt3A = arith.constant 23 : i32
    %lt3A_1 = arith.cmpi slt, %add3A, %lt3A : i32
    %convert_element_type3A = arith.extui %lt3A_1 : i1 to i32
    %cond3A = arith.constant 0 : i32
    %cond3A_2 = arith.cmpi ne, %convert_element_type3A, %cond3A : i32
    scf.if %cond3A_2 {
      "tpu.region"() ({
        %run_scoped3A = tpu.sem_alloc : memref<!tpu.dma_semaphore, #tpu.memory_space<semaphore_mem>>
        tpu.enqueue_dma source(%arg3 : memref<3x3xf32, #tpu.memory_space<hbm>>) target(%arg6 : memref<3x3xf32, #tpu.memory_space<vmem>>) target_semaphore(%run_scoped3A : memref<!tpu.dma_semaphore, #tpu.memory_space<semaphore_mem>>)
        tpu.wait_dma2 semaphore(%run_scoped3A : memref<!tpu.dma_semaphore, #tpu.memory_space<semaphore_mem>>) src(%arg3 : memref<3x3xf32, #tpu.memory_space<hbm>>) dst(%arg6 : memref<3x3xf32, #tpu.memory_space<vmem>>)
        tpu.yield
      }) : () -> ()
      "tpu.region"() ({
        %run_scoped3A = tpu.sem_alloc : memref<!tpu.dma_semaphore, #tpu.memory_space<semaphore_mem>>
        %dma_start3A_225 = arith.constant 8 : i32
        %dma_start3A_226 = tpu.memref_slice %arg7[%dma_start3A_225] : memref<16xf32, #tpu.memory_space<vmem>> -> memref<3xf32, #tpu.memory_space<vmem>>
        %dma_start3A_227 = arith.constant 8 : i32
        %dma_start3A_228 = tpu.memref_slice %arg7[%dma_start3A_227] : memref<16xf32, #tpu.memory_space<vmem>> -> memref<3xf32, #tpu.memory_space<vmem>>
        tpu.enqueue_dma source(%arg4 : memref<3xf32, #tpu.memory_space<hbm>>) target(%dma_start3A_228 : memref<3xf32, #tpu.memory_space<vmem>>) target_semaphore(%run_scoped3A : memref<!tpu.dma_semaphore, #tpu.memory_space<semaphore_mem>>)
        %dma_wait3A_229 = arith.constant 8 : i32
        %dma_wait3A_230 = tpu.memref_slice %arg7[%dma_wait3A_229] : memref<16xf32, #tpu.memory_space<vmem>> -> memref<3xf32, #tpu.memory_space<vmem>>
        %dma_wait3A_231 = arith.constant 8 : i32
        %dma_wait3A_232 = tpu.memref_slice %arg7[%dma_wait3A_231] : memref<16xf32, #tpu.memory_space<vmem>> -> memref<3xf32, #tpu.memory_space<vmem>>
        tpu.wait_dma2 semaphore(%run_scoped3A : memref<!tpu.dma_semaphore, #tpu.memory_space<semaphore_mem>>) src(%arg4 : memref<3xf32, #tpu.memory_space<hbm>>) dst(%dma_wait3A_232 : memref<3xf32, #tpu.memory_space<vmem>>)
        tpu.yield
      }) : () -> ()
      %iota3A = tpu.iota {dimensions = array<i32: 0>} : vector<16xi32>
      %broadcast_in_dim3A = arith.constant 0 : i32
      %broadcast_in_dim3A_3 = vector.broadcast %broadcast_in_dim3A : i32 to vector<16xi32>
      %broadcast_in_dim3A_4 = arith.constant 1 : i32
      %broadcast_in_dim3A_5 = vector.broadcast %broadcast_in_dim3A_4 : i32 to vector<16xi32>
      %gather3A = tpu.vector_load_idx %arg6[%broadcast_in_dim3A_3, %broadcast_in_dim3A_5] : memref<3x3xf32, #tpu.memory_space<vmem>>[vector<16xi32>, vector<16xi32>], vector<16xf32>,
      %bitcast3A = vector.bitcast %gather3A : vector<16xf32> to vector<16xi32>
      %add3A_6 = arith.constant 32767 : i32
      %add3A_7 = vector.broadcast %add3A_6 : i32 to vector<16xi32>
      %add3A_8 = arith.addi %bitcast3A, %add3A_7 : vector<16xi32>
      %shift_right_logical3A = arith.constant 16 : i32
      %shift_right_logical3A_9 = vector.broadcast %shift_right_logical3A : i32 to vector<16xi32>
      %shift_right_logical3A_10 = arith.shrui %bitcast3A, %shift_right_logical3A_9 : vector<16xi32>
      %and3A = arith.constant 1 : i32
      %and3A_11 = vector.broadcast %and3A : i32 to vector<16xi32>
      %and3A_12 = arith.andi %shift_right_logical3A_10, %and3A_11 : vector<16xi32>
      %add3A_13 = arith.addi %add3A_8, %and3A_12 : vector<16xi32>
      %and3A_14 = arith.constant -65536 : i32
      %and3A_15 = vector.broadcast %and3A_14 : i32 to vector<16xi32>
      %and3A_16 = arith.andi %add3A_13, %and3A_15 : vector<16xi32>
      %bitcast3A_17 = vector.bitcast %and3A_16 : vector<16xi32> to vector<16xf32>
      %broadcast_in_dim3A_18 = arith.constant 1 : i32
      %broadcast_in_dim3A_19 = vector.broadcast %broadcast_in_dim3A_18 : i32 to vector<16xi32>
      %broadcast_in_dim3A_20 = arith.constant 1 : i32
      %broadcast_in_dim3A_21 = vector.broadcast %broadcast_in_dim3A_20 : i32 to vector<16xi32>
      %gather3A_22 = tpu.vector_load_idx %arg6[%broadcast_in_dim3A_19, %broadcast_in_dim3A_21] : memref<3x3xf32, #tpu.memory_space<vmem>>[vector<16xi32>, vector<16xi32>], vector<16xf32>,
      %bitcast3A_23 = vector.bitcast %gather3A_22 : vector<16xf32> to vector<16xi32>
      %add3A_24 = arith.constant 32767 : i32
      %add3A_25 = vector.broadcast %add3A_24 : i32 to vector<16xi32>
      %add3A_26 = arith.addi %bitcast3A_23, %add3A_25 : vector<16xi32>
      %shift_right_logical3A_27 = arith.constant 16 : i32
      %shift_right_logical3A_28 = vector.broadcast %shift_right_logical3A_27 : i32 to vector<16xi32>
      %shift_right_logical3A_29 = arith.shrui %bitcast3A_23, %shift_right_logical3A_28 : vector<16xi32>
      %and3A_30 = arith.constant 1 : i32
      %and3A_31 = vector.broadcast %and3A_30 : i32 to vector<16xi32>
      %and3A_32 = arith.andi %shift_right_logical3A_29, %and3A_31 : vector<16xi32>
      %add3A_33 = arith.addi %add3A_26, %and3A_32 : vector<16xi32>
      %and3A_34 = arith.constant -65536 : i32
      %and3A_35 = vector.broadcast %and3A_34 : i32 to vector<16xi32>
      %and3A_36 = arith.andi %add3A_33, %and3A_35 : vector<16xi32>
      %bitcast3A_37 = vector.bitcast %and3A_36 : vector<16xi32> to vector<16xf32>
      %broadcast_in_dim3A_38 = arith.constant 2 : i32
      %broadcast_in_dim3A_39 = vector.broadcast %broadcast_in_dim3A_38 : i32 to vector<16xi32>
      %broadcast_in_dim3A_40 = arith.constant 2 : i32
      %broadcast_in_dim3A_41 = vector.broadcast %broadcast_in_dim3A_40 : i32 to vector<16xi32>
      %gather3A_42 = tpu.vector_load_idx %arg6[%broadcast_in_dim3A_39, %broadcast_in_dim3A_41] : memref<3x3xf32, #tpu.memory_space<vmem>>[vector<16xi32>, vector<16xi32>], vector<16xf32>,
      %bitcast3A_43 = vector.bitcast %gather3A_42 : vector<16xf32> to vector<16xi32>
      %add3A_44 = arith.constant 32767 : i32
      %add3A_45 = vector.broadcast %add3A_44 : i32 to vector<16xi32>
      %add3A_46 = arith.addi %bitcast3A_43, %add3A_45 : vector<16xi32>
      %shift_right_logical3A_47 = arith.constant 16 : i32
      %shift_right_logical3A_48 = vector.broadcast %shift_right_logical3A_47 : i32 to vector<16xi32>
      %shift_right_logical3A_49 = arith.shrui %bitcast3A_43, %shift_right_logical3A_48 : vector<16xi32>
      %and3A_50 = arith.constant 1 : i32
      %and3A_51 = vector.broadcast %and3A_50 : i32 to vector<16xi32>
      %and3A_52 = arith.andi %shift_right_logical3A_49, %and3A_51 : vector<16xi32>
      %add3A_53 = arith.addi %add3A_46, %and3A_52 : vector<16xi32>
      %and3A_54 = arith.constant -65536 : i32
      %and3A_55 = vector.broadcast %and3A_54 : i32 to vector<16xi32>
      %and3A_56 = arith.andi %add3A_53, %and3A_55 : vector<16xi32>
      %bitcast3A_57 = vector.bitcast %and3A_56 : vector<16xi32> to vector<16xf32>
      %broadcast_in_dim3A_58 = arith.constant 8 : i32
      %broadcast_in_dim3A_59 = vector.broadcast %broadcast_in_dim3A_58 : i32 to vector<16xi32>
      %gather3A_60 = tpu.vector_load_idx %arg7[%broadcast_in_dim3A_59] : memref<16xf32, #tpu.memory_space<vmem>>[vector<16xi32>], vector<16xf32>,
      %broadcast_in_dim3A_61 = arith.constant 9 : i32
      %broadcast_in_dim3A_62 = vector.broadcast %broadcast_in_dim3A_61 : i32 to vector<16xi32>
      %gather3A_63 = tpu.vector_load_idx %arg7[%broadcast_in_dim3A_62] : memref<16xf32, #tpu.memory_space<vmem>>[vector<16xi32>], vector<16xf32>,
      %broadcast_in_dim3A_64 = arith.constant 10 : i32
      %broadcast_in_dim3A_65 = vector.broadcast %broadcast_in_dim3A_64 : i32 to vector<16xi32>
      %gather3A_66 = tpu.vector_load_idx %arg7[%broadcast_in_dim3A_65] : memref<16xf32, #tpu.memory_space<vmem>>[vector<16xi32>], vector<16xf32>,
      %mul3A_67 = arith.constant 16 : i32
      %mul3A_68 = arith.muli %add3A, %mul3A_67 : i32
      %add3A_69 = vector.broadcast %mul3A_68 : i32 to vector<16xi32>
      %add3A_70 = arith.addi %add3A_69, %iota3A : vector<16xi32>
      %convert_element_type3A_71 = arith.sitofp %add3A_70 : vector<16xi32> to vector<16xf32>
      %mul3A_72 = arith.constant 0.00554016605 : f32
      %mul3A_73 = vector.broadcast %mul3A_72 : f32 to vector<16xf32>
      %mul3A_74 = arith.mulf %convert_element_type3A_71, %mul3A_73 : vector<16xf32>
      %sub3A = arith.constant 1.000000e+00 : f32
      %sub3A_75 = vector.broadcast %sub3A : f32 to vector<16xf32>
      %sub3A_76 = arith.subf %mul3A_74, %sub3A_75 : vector<16xf32>
      %bitcast3A_77 = vector.bitcast %sub3A_76 : vector<16xf32> to vector<16xi32>
      %add3A_78 = arith.constant 32767 : i32
      %add3A_79 = vector.broadcast %add3A_78 : i32 to vector<16xi32>
      %add3A_80 = arith.addi %bitcast3A_77, %add3A_79 : vector<16xi32>
      %shift_right_logical3A_81 = arith.constant 16 : i32
      %shift_right_logical3A_82 = vector.broadcast %shift_right_logical3A_81 : i32 to vector<16xi32>
      %shift_right_logical3A_83 = arith.shrui %bitcast3A_77, %shift_right_logical3A_82 : vector<16xi32>
      %and3A_84 = arith.constant 1 : i32
      %and3A_85 = vector.broadcast %and3A_84 : i32 to vector<16xi32>
      %and3A_86 = arith.andi %shift_right_logical3A_83, %and3A_85 : vector<16xi32>
      %add3A_87 = arith.addi %add3A_80, %and3A_86 : vector<16xi32>
      %and3A_88 = arith.constant -65536 : i32
      %and3A_89 = vector.broadcast %and3A_88 : i32 to vector<16xi32>
      %and3A_90 = arith.andi %add3A_87, %and3A_89 : vector<16xi32>
      %bitcast3A_91 = vector.bitcast %and3A_90 : vector<16xi32> to vector<16xf32>
      %mul3A_92 = arith.mulf %bitcast3A_17, %bitcast3A_91 : vector<16xf32>
      %add3A_93 = arith.addf %mul3A_92, %gather3A_60 : vector<16xf32>
      %add3A_94 = arith.constant 1.000000e+00 : f32
      %add3A_95 = vector.broadcast %add3A_94 : f32 to vector<16xf32>
      %add3A_96 = arith.addf %add3A_93, %add3A_95 : vector<16xf32>
      %mul3A_97 = arith.constant 2.550000e+02 : f32
      %mul3A_98 = vector.broadcast %mul3A_97 : f32 to vector<16xf32>
      %mul3A_99 = arith.mulf %add3A_96, %mul3A_98 : vector<16xf32>
      %mul3A_100 = arith.constant 5.000000e-01 : f32
      %mul3A_101 = vector.broadcast %mul3A_100 : f32 to vector<16xf32>
      %mul3A_102 = arith.mulf %mul3A_99, %mul3A_101 : vector<16xf32>
      %max3A = arith.constant 0.000000e+00 : f32
      %max3A_103 = vector.broadcast %max3A : f32 to vector<16xf32>
      %max3A_104 = arith.maximumf %mul3A_102, %max3A_103 : vector<16xf32>
      %min3A = arith.constant 2.550000e+02 : f32
      %min3A_105 = vector.broadcast %min3A : f32 to vector<16xf32>
      %min3A_106 = arith.minimumf %max3A_104, %min3A_105 : vector<16xf32>
      %add3A_107 = arith.constant 5.000000e-01 : f32
      %add3A_108 = vector.broadcast %add3A_107 : f32 to vector<16xf32>
      %add3A_109 = arith.addf %min3A_106, %add3A_108 : vector<16xf32>
      %convert_element_type3A_110 = arith.fptosi %add3A_109 : vector<16xf32> to vector<16xi32>
      %convert_element_type3A_111 = arith.sitofp %convert_element_type3A_110 : vector<16xi32> to vector<16xf32>
      %eq3A = arith.cmpf oeq, %convert_element_type3A_111, %add3A_109 : vector<16xf32>
      %and3A_112 = arith.constant 1 : i32
      %and3A_113 = vector.broadcast %and3A_112 : i32 to vector<16xi32>
      %and3A_114 = arith.andi %convert_element_type3A_110, %and3A_113 : vector<16xi32>
      %eq3A_115 = arith.constant 1 : i32
      %eq3A_116 = vector.broadcast %eq3A_115 : i32 to vector<16xi32>
      %eq3A_117 = arith.cmpi eq, %and3A_114, %eq3A_116 : vector<16xi32>
      %and3A_118 = arith.andi %eq3A, %eq3A_117 : vector<16xi1>
      %sub3A_119 = arith.constant 1 : i32
      %sub3A_120 = vector.broadcast %sub3A_119 : i32 to vector<16xi32>
      %sub3A_121 = arith.subi %convert_element_type3A_110, %sub3A_120 : vector<16xi32>
      %select_n3A = arith.select %and3A_118, %sub3A_121, %convert_element_type3A_110 : vector<16xi1>, vector<16xi32>
      %mul3A_122 = arith.mulf %bitcast3A_37, %bitcast3A_91 : vector<16xf32>
      %add3A_123 = arith.addf %mul3A_122, %gather3A_63 : vector<16xf32>
      %add3A_124 = arith.constant 1.000000e+00 : f32
      %add3A_125 = vector.broadcast %add3A_124 : f32 to vector<16xf32>
      %add3A_126 = arith.addf %add3A_123, %add3A_125 : vector<16xf32>
      %mul3A_127 = arith.constant 2.550000e+02 : f32
      %mul3A_128 = vector.broadcast %mul3A_127 : f32 to vector<16xf32>
      %mul3A_129 = arith.mulf %add3A_126, %mul3A_128 : vector<16xf32>
      %mul3A_130 = arith.constant 5.000000e-01 : f32
      %mul3A_131 = vector.broadcast %mul3A_130 : f32 to vector<16xf32>
      %mul3A_132 = arith.mulf %mul3A_129, %mul3A_131 : vector<16xf32>
      %max3A_133 = arith.constant 0.000000e+00 : f32
      %max3A_134 = vector.broadcast %max3A_133 : f32 to vector<16xf32>
      %max3A_135 = arith.maximumf %mul3A_132, %max3A_134 : vector<16xf32>
      %min3A_136 = arith.constant 2.550000e+02 : f32
      %min3A_137 = vector.broadcast %min3A_136 : f32 to vector<16xf32>
      %min3A_138 = arith.minimumf %max3A_135, %min3A_137 : vector<16xf32>
      %add3A_139 = arith.constant 5.000000e-01 : f32
      %add3A_140 = vector.broadcast %add3A_139 : f32 to vector<16xf32>
      %add3A_141 = arith.addf %min3A_138, %add3A_140 : vector<16xf32>
      %convert_element_type3A_142 = arith.fptosi %add3A_141 : vector<16xf32> to vector<16xi32>
      %convert_element_type3A_143 = arith.sitofp %convert_element_type3A_142 : vector<16xi32> to vector<16xf32>
      %eq3A_144 = arith.cmpf oeq, %convert_element_type3A_143, %add3A_141 : vector<16xf32>
      %and3A_145 = arith.constant 1 : i32
      %and3A_146 = vector.broadcast %and3A_145 : i32 to vector<16xi32>
      %and3A_147 = arith.andi %convert_element_type3A_142, %and3A_146 : vector<16xi32>
      %eq3A_148 = arith.constant 1 : i32
      %eq3A_149 = vector.broadcast %eq3A_148 : i32 to vector<16xi32>
      %eq3A_150 = arith.cmpi eq, %and3A_147, %eq3A_149 : vector<16xi32>
      %and3A_151 = arith.andi %eq3A_144, %eq3A_150 : vector<16xi1>
      %sub3A_152 = arith.constant 1 : i32
      %sub3A_153 = vector.broadcast %sub3A_152 : i32 to vector<16xi32>
      %sub3A_154 = arith.subi %convert_element_type3A_142, %sub3A_153 : vector<16xi32>
      %select_n3A_155 = arith.select %and3A_151, %sub3A_154, %convert_element_type3A_142 : vector<16xi1>, vector<16xi32>
      %mul3A_156 = arith.constant 256 : i32
      %mul3A_157 = vector.broadcast %mul3A_156 : i32 to vector<16xi32>
      %mul3A_158 = arith.muli %select_n3A, %mul3A_157 : vector<16xi32>
      %add3A_159 = arith.addi %mul3A_158, %select_n3A_155 : vector<16xi32>
      %swap3A = arith.constant 0 : index
      %swap3A_160 = tpu.vector_load %arg8[%swap3A] {strides = array<i32>} : memref<16xi32, #tpu.memory_space<vmem>>, vector<16xi32>,
      tpu.vector_store %arg8[%swap3A], %add3A_159 {strides = array<i32>} : memref<16xi32, #tpu.memory_space<vmem>>, vector<16xi32>,
      %dma_start3A = arith.constant 0 : i32
      %dma_start3A_161 = arith.constant 0 : i32
      %dma_start3A_162 = tpu.memref_slice %arg2[%dma_start3A, %dma_start3A_161] : memref<65536x256xf32, #tpu.memory_space<hbm>> -> memref<65536x256xf32, #tpu.memory_space<hbm>>
      tpu.enqueue_indirect_dma source(%dma_start3A_162 : memref<65536x256xf32, #tpu.memory_space<hbm>>) target(%arg10 : memref<16x256xf32, #tpu.memory_space<vmem>>) offsets(%arg8 : memref<16xi32, #tpu.memory_space<vmem>>) semaphore(%arg12 : memref<!tpu.dma_semaphore, #tpu.memory_space<semaphore_mem>>)
      %scan3A = arith.constant 0 : i32
      %scan3A_163 = arith.constant 0 : i32
      %scan3A_164 = arith.constant 24 : i32
      %scan3A_165 = arith.addi %scan3A_163, %scan3A_164 : i32
      %scan3A_166 = arith.constant 4 : i32
      scf.for %scan3A_225 = %scan3A_163 to %scan3A_165 step %scan3A_166  : i32 {
        %mul3A_226 = arith.constant 16 : i32
        %mul3A_227 = arith.muli %scan3A_225, %mul3A_226 : i32
        %add3A_228 = vector.broadcast %mul3A_227 : i32 to vector<16xi32>
        %add3A_229 = arith.addi %add3A_228, %iota3A : vector<16xi32>
        %convert_element_type3A_230 = arith.sitofp %add3A_229 : vector<16xi32> to vector<16xf32>
        %mul3A_231 = arith.constant 0.00554016605 : f32
        %mul3A_232 = vector.broadcast %mul3A_231 : f32 to vector<16xf32>
        %mul3A_233 = arith.mulf %convert_element_type3A_230, %mul3A_232 : vector<16xf32>
        %sub3A_234 = arith.constant 1.000000e+00 : f32
        %sub3A_235 = vector.broadcast %sub3A_234 : f32 to vector<16xf32>
        %sub3A_236 = arith.subf %mul3A_233, %sub3A_235 : vector<16xf32>
        %bitcast3A_237 = vector.bitcast %sub3A_236 : vector<16xf32> to vector<16xi32>
        %add3A_238 = arith.constant 32767 : i32
        %add3A_239 = vector.broadcast %add3A_238 : i32 to vector<16xi32>
        %add3A_240 = arith.addi %bitcast3A_237, %add3A_239 : vector<16xi32>
        %shift_right_logical3A_241 = arith.constant 16 : i32
        %shift_right_logical3A_242 = vector.broadcast %shift_right_logical3A_241 : i32 to vector<16xi32>
        %shift_right_logical3A_243 = arith.shrui %bitcast3A_237, %shift_right_logical3A_242 : vector<16xi32>
        %and3A_244 = arith.constant 1 : i32
        %and3A_245 = vector.broadcast %and3A_244 : i32 to vector<16xi32>
        %and3A_246 = arith.andi %shift_right_logical3A_243, %and3A_245 : vector<16xi32>
        %add3A_247 = arith.addi %add3A_240, %and3A_246 : vector<16xi32>
        %and3A_248 = arith.constant -65536 : i32
        %and3A_249 = vector.broadcast %and3A_248 : i32 to vector<16xi32>
        %and3A_250 = arith.andi %add3A_247, %and3A_249 : vector<16xi32>
        %bitcast3A_251 = vector.bitcast %and3A_250 : vector<16xi32> to vector<16xf32>
        %mul3A_252 = arith.mulf %bitcast3A_57, %bitcast3A_251 : vector<16xf32>
        %add3A_253 = arith.addf %mul3A_252, %gather3A_66 : vector<16xf32>
        %add3A_254 = arith.constant 1.000000e+00 : f32
        %add3A_255 = vector.broadcast %add3A_254 : f32 to vector<16xf32>
        %add3A_256 = arith.addf %add3A_253, %add3A_255 : vector<16xf32>
        %mul3A_257 = arith.constant 2.550000e+02 : f32
        %mul3A_258 = vector.broadcast %mul3A_257 : f32 to vector<16xf32>
        %mul3A_259 = arith.mulf %add3A_256, %mul3A_258 : vector<16xf32>
        %mul3A_260 = arith.constant 5.000000e-01 : f32
        %mul3A_261 = vector.broadcast %mul3A_260 : f32 to vector<16xf32>
        %mul3A_262 = arith.mulf %mul3A_259, %mul3A_261 : vector<16xf32>
        %max3A_263 = arith.constant 0.000000e+00 : f32
        %max3A_264 = vector.broadcast %max3A_263 : f32 to vector<16xf32>
        %max3A_265 = arith.maximumf %mul3A_262, %max3A_264 : vector<16xf32>
        %min3A_266 = arith.constant 2.550000e+02 : f32
        %min3A_267 = vector.broadcast %min3A_266 : f32 to vector<16xf32>
        %min3A_268 = arith.minimumf %max3A_265, %min3A_267 : vector<16xf32>
        %add3A_269 = arith.constant 5.000000e-01 : f32
        %add3A_270 = vector.broadcast %add3A_269 : f32 to vector<16xf32>
        %add3A_271 = arith.addf %min3A_268, %add3A_270 : vector<16xf32>
        %convert_element_type3A_272 = arith.fptosi %add3A_271 : vector<16xf32> to vector<16xi32>
        %convert_element_type3A_273 = arith.sitofp %convert_element_type3A_272 : vector<16xi32> to vector<16xf32>
        %eq3A_274 = arith.cmpf oeq, %convert_element_type3A_273, %add3A_271 : vector<16xf32>
        %and3A_275 = arith.constant 1 : i32
        %and3A_276 = vector.broadcast %and3A_275 : i32 to vector<16xi32>
        %and3A_277 = arith.andi %convert_element_type3A_272, %and3A_276 : vector<16xi32>
        %eq3A_278 = arith.constant 1 : i32
        %eq3A_279 = vector.broadcast %eq3A_278 : i32 to vector<16xi32>
        %eq3A_280 = arith.cmpi eq, %and3A_277, %eq3A_279 : vector<16xi32>
        %and3A_281 = arith.andi %eq3A_274, %eq3A_280 : vector<16xi1>
        %sub3A_282 = arith.constant 1 : i32
        %sub3A_283 = vector.broadcast %sub3A_282 : i32 to vector<16xi32>
        %sub3A_284 = arith.subi %convert_element_type3A_272, %sub3A_283 : vector<16xi32>
        %select_n3A_285 = arith.select %and3A_281, %sub3A_284, %convert_element_type3A_272 : vector<16xi1>, vector<16xi32>
        %mul3A_286 = arith.constant 16 : i32
        %mul3A_287 = arith.muli %scan3A_225, %mul3A_286 : i32
        %swap3A_288 = arith.index_cast %mul3A_287 : i32 to index
        %swap3A_289 = tpu.vector_load %arg9[%swap3A_288] {strides = array<i32>} : memref<384xi32, #tpu.memory_space<vmem>>, vector<16xi32>,
        tpu.vector_store %arg9[%swap3A_288], %select_n3A_285 {strides = array<i32>} : memref<384xi32, #tpu.memory_space<vmem>>, vector<16xi32>,
        %scan3A_290 = arith.constant 1 : i32
        %scan3A_291 = arith.addi %scan3A_225, %scan3A_290 : i32
        %mul3A_292 = arith.constant 16 : i32
        %mul3A_293 = arith.muli %scan3A_291, %mul3A_292 : i32
        %add3A_294 = vector.broadcast %mul3A_293 : i32 to vector<16xi32>
        %add3A_295 = arith.addi %add3A_294, %iota3A : vector<16xi32>
        %convert_element_type3A_296 = arith.sitofp %add3A_295 : vector<16xi32> to vector<16xf32>
        %mul3A_297 = arith.constant 0.00554016605 : f32
        %mul3A_298 = vector.broadcast %mul3A_297 : f32 to vector<16xf32>
        %mul3A_299 = arith.mulf %convert_element_type3A_296, %mul3A_298 : vector<16xf32>
        %sub3A_300 = arith.constant 1.000000e+00 : f32
        %sub3A_301 = vector.broadcast %sub3A_300 : f32 to vector<16xf32>
        %sub3A_302 = arith.subf %mul3A_299, %sub3A_301 : vector<16xf32>
        %bitcast3A_303 = vector.bitcast %sub3A_302 : vector<16xf32> to vector<16xi32>
        %add3A_304 = arith.constant 32767 : i32
        %add3A_305 = vector.broadcast %add3A_304 : i32 to vector<16xi32>
        %add3A_306 = arith.addi %bitcast3A_303, %add3A_305 : vector<16xi32>
        %shift_right_logical3A_307 = arith.constant 16 : i32
        %shift_right_logical3A_308 = vector.broadcast %shift_right_logical3A_307 : i32 to vector<16xi32>
        %shift_right_logical3A_309 = arith.shrui %bitcast3A_303, %shift_right_logical3A_308 : vector<16xi32>
        %and3A_310 = arith.constant 1 : i32
        %and3A_311 = vector.broadcast %and3A_310 : i32 to vector<16xi32>
        %and3A_312 = arith.andi %shift_right_logical3A_309, %and3A_311 : vector<16xi32>
        %add3A_313 = arith.addi %add3A_306, %and3A_312 : vector<16xi32>
        %and3A_314 = arith.constant -65536 : i32
        %and3A_315 = vector.broadcast %and3A_314 : i32 to vector<16xi32>
        %and3A_316 = arith.andi %add3A_313, %and3A_315 : vector<16xi32>
        %bitcast3A_317 = vector.bitcast %and3A_316 : vector<16xi32> to vector<16xf32>
        %mul3A_318 = arith.mulf %bitcast3A_57, %bitcast3A_317 : vector<16xf32>
        %add3A_319 = arith.addf %mul3A_318, %gather3A_66 : vector<16xf32>
        %add3A_320 = arith.constant 1.000000e+00 : f32
        %add3A_321 = vector.broadcast %add3A_320 : f32 to vector<16xf32>
        %add3A_322 = arith.addf %add3A_319, %add3A_321 : vector<16xf32>
        %mul3A_323 = arith.constant 2.550000e+02 : f32
        %mul3A_324 = vector.broadcast %mul3A_323 : f32 to vector<16xf32>
        %mul3A_325 = arith.mulf %add3A_322, %mul3A_324 : vector<16xf32>
        %mul3A_326 = arith.constant 5.000000e-01 : f32
        %mul3A_327 = vector.broadcast %mul3A_326 : f32 to vector<16xf32>
        %mul3A_328 = arith.mulf %mul3A_325, %mul3A_327 : vector<16xf32>
        %max3A_329 = arith.constant 0.000000e+00 : f32
        %max3A_330 = vector.broadcast %max3A_329 : f32 to vector<16xf32>
        %max3A_331 = arith.maximumf %mul3A_328, %max3A_330 : vector<16xf32>
        %min3A_332 = arith.constant 2.550000e+02 : f32
        %min3A_333 = vector.broadcast %min3A_332 : f32 to vector<16xf32>
        %min3A_334 = arith.minimumf %max3A_331, %min3A_333 : vector<16xf32>
        %add3A_335 = arith.constant 5.000000e-01 : f32
        %add3A_336 = vector.broadcast %add3A_335 : f32 to vector<16xf32>
        %add3A_337 = arith.addf %min3A_334, %add3A_336 : vector<16xf32>
        %convert_element_type3A_338 = arith.fptosi %add3A_337 : vector<16xf32> to vector<16xi32>
        %convert_element_type3A_339 = arith.sitofp %convert_element_type3A_338 : vector<16xi32> to vector<16xf32>
        %eq3A_340 = arith.cmpf oeq, %convert_element_type3A_339, %add3A_337 : vector<16xf32>
        %and3A_341 = arith.constant 1 : i32
        %and3A_342 = vector.broadcast %and3A_341 : i32 to vector<16xi32>
        %and3A_343 = arith.andi %convert_element_type3A_338, %and3A_342 : vector<16xi32>
        %eq3A_344 = arith.constant 1 : i32
        %eq3A_345 = vector.broadcast %eq3A_344 : i32 to vector<16xi32>
        %eq3A_346 = arith.cmpi eq, %and3A_343, %eq3A_345 : vector<16xi32>
        %and3A_347 = arith.andi %eq3A_340, %eq3A_346 : vector<16xi1>
        %sub3A_348 = arith.constant 1 : i32
        %sub3A_349 = vector.broadcast %sub3A_348 : i32 to vector<16xi32>
        %sub3A_350 = arith.subi %convert_element_type3A_338, %sub3A_349 : vector<16xi32>
        %select_n3A_351 = arith.select %and3A_347, %sub3A_350, %convert_element_type3A_338 : vector<16xi1>, vector<16xi32>
        %mul3A_352 = arith.constant 16 : i32
        %mul3A_353 = arith.muli %scan3A_291, %mul3A_352 : i32
        %swap3A_354 = arith.index_cast %mul3A_353 : i32 to index
        %swap3A_355 = tpu.vector_load %arg9[%swap3A_354] {strides = array<i32>} : memref<384xi32, #tpu.memory_space<vmem>>, vector<16xi32>,
        tpu.vector_store %arg9[%swap3A_354], %select_n3A_351 {strides = array<i32>} : memref<384xi32, #tpu.memory_space<vmem>>, vector<16xi32>,
        %scan3A_356 = arith.constant 2 : i32
        %scan3A_357 = arith.addi %scan3A_225, %scan3A_356 : i32
        %mul3A_358 = arith.constant 16 : i32
        %mul3A_359 = arith.muli %scan3A_357, %mul3A_358 : i32
        %add3A_360 = vector.broadcast %mul3A_359 : i32 to vector<16xi32>
        %add3A_361 = arith.addi %add3A_360, %iota3A : vector<16xi32>
        %convert_element_type3A_362 = arith.sitofp %add3A_361 : vector<16xi32> to vector<16xf32>
        %mul3A_363 = arith.constant 0.00554016605 : f32
        %mul3A_364 = vector.broadcast %mul3A_363 : f32 to vector<16xf32>
        %mul3A_365 = arith.mulf %convert_element_type3A_362, %mul3A_364 : vector<16xf32>
        %sub3A_366 = arith.constant 1.000000e+00 : f32
        %sub3A_367 = vector.broadcast %sub3A_366 : f32 to vector<16xf32>
        %sub3A_368 = arith.subf %mul3A_365, %sub3A_367 : vector<16xf32>
        %bitcast3A_369 = vector.bitcast %sub3A_368 : vector<16xf32> to vector<16xi32>
        %add3A_370 = arith.constant 32767 : i32
        %add3A_371 = vector.broadcast %add3A_370 : i32 to vector<16xi32>
        %add3A_372 = arith.addi %bitcast3A_369, %add3A_371 : vector<16xi32>
        %shift_right_logical3A_373 = arith.constant 16 : i32
        %shift_right_logical3A_374 = vector.broadcast %shift_right_logical3A_373 : i32 to vector<16xi32>
        %shift_right_logical3A_375 = arith.shrui %bitcast3A_369, %shift_right_logical3A_374 : vector<16xi32>
        %and3A_376 = arith.constant 1 : i32
        %and3A_377 = vector.broadcast %and3A_376 : i32 to vector<16xi32>
        %and3A_378 = arith.andi %shift_right_logical3A_375, %and3A_377 : vector<16xi32>
        %add3A_379 = arith.addi %add3A_372, %and3A_378 : vector<16xi32>
        %and3A_380 = arith.constant -65536 : i32
        %and3A_381 = vector.broadcast %and3A_380 : i32 to vector<16xi32>
        %and3A_382 = arith.andi %add3A_379, %and3A_381 : vector<16xi32>
        %bitcast3A_383 = vector.bitcast %and3A_382 : vector<16xi32> to vector<16xf32>
        %mul3A_384 = arith.mulf %bitcast3A_57, %bitcast3A_383 : vector<16xf32>
        %add3A_385 = arith.addf %mul3A_384, %gather3A_66 : vector<16xf32>
        %add3A_386 = arith.constant 1.000000e+00 : f32
        %add3A_387 = vector.broadcast %add3A_386 : f32 to vector<16xf32>
        %add3A_388 = arith.addf %add3A_385, %add3A_387 : vector<16xf32>
        %mul3A_389 = arith.constant 2.550000e+02 : f32
        %mul3A_390 = vector.broadcast %mul3A_389 : f32 to vector<16xf32>
        %mul3A_391 = arith.mulf %add3A_388, %mul3A_390 : vector<16xf32>
        %mul3A_392 = arith.constant 5.000000e-01 : f32
        %mul3A_393 = vector.broadcast %mul3A_392 : f32 to vector<16xf32>
        %mul3A_394 = arith.mulf %mul3A_391, %mul3A_393 : vector<16xf32>
        %max3A_395 = arith.constant 0.000000e+00 : f32
        %max3A_396 = vector.broadcast %max3A_395 : f32 to vector<16xf32>
        %max3A_397 = arith.maximumf %mul3A_394, %max3A_396 : vector<16xf32>
        %min3A_398 = arith.constant 2.550000e+02 : f32
        %min3A_399 = vector.broadcast %min3A_398 : f32 to vector<16xf32>
        %min3A_400 = arith.minimumf %max3A_397, %min3A_399 : vector<16xf32>
        %add3A_401 = arith.constant 5.000000e-01 : f32
        %add3A_402 = vector.broadcast %add3A_401 : f32 to vector<16xf32>
        %add3A_403 = arith.addf %min3A_400, %add3A_402 : vector<16xf32>
        %convert_element_type3A_404 = arith.fptosi %add3A_403 : vector<16xf32> to vector<16xi32>
        %convert_element_type3A_405 = arith.sitofp %convert_element_type3A_404 : vector<16xi32> to vector<16xf32>
        %eq3A_406 = arith.cmpf oeq, %convert_element_type3A_405, %add3A_403 : vector<16xf32>
        %and3A_407 = arith.constant 1 : i32
        %and3A_408 = vector.broadcast %and3A_407 : i32 to vector<16xi32>
        %and3A_409 = arith.andi %convert_element_type3A_404, %and3A_408 : vector<16xi32>
        %eq3A_410 = arith.constant 1 : i32
        %eq3A_411 = vector.broadcast %eq3A_410 : i32 to vector<16xi32>
        %eq3A_412 = arith.cmpi eq, %and3A_409, %eq3A_411 : vector<16xi32>
        %and3A_413 = arith.andi %eq3A_406, %eq3A_412 : vector<16xi1>
        %sub3A_414 = arith.constant 1 : i32
        %sub3A_415 = vector.broadcast %sub3A_414 : i32 to vector<16xi32>
        %sub3A_416 = arith.subi %convert_element_type3A_404, %sub3A_415 : vector<16xi32>
        %select_n3A_417 = arith.select %and3A_413, %sub3A_416, %convert_element_type3A_404 : vector<16xi1>, vector<16xi32>
        %mul3A_418 = arith.constant 16 : i32
        %mul3A_419 = arith.muli %scan3A_357, %mul3A_418 : i32
        %swap3A_420 = arith.index_cast %mul3A_419 : i32 to index
        %swap3A_421 = tpu.vector_load %arg9[%swap3A_420] {strides = array<i32>} : memref<384xi32, #tpu.memory_space<vmem>>, vector<16xi32>,
        tpu.vector_store %arg9[%swap3A_420], %select_n3A_417 {strides = array<i32>} : memref<384xi32, #tpu.memory_space<vmem>>, vector<16xi32>,
        %scan3A_422 = arith.constant 3 : i32
        %scan3A_423 = arith.addi %scan3A_225, %scan3A_422 : i32
        %mul3A_424 = arith.constant 16 : i32
        %mul3A_425 = arith.muli %scan3A_423, %mul3A_424 : i32
        %add3A_426 = vector.broadcast %mul3A_425 : i32 to vector<16xi32>
        %add3A_427 = arith.addi %add3A_426, %iota3A : vector<16xi32>
        %convert_element_type3A_428 = arith.sitofp %add3A_427 : vector<16xi32> to vector<16xf32>
        %mul3A_429 = arith.constant 0.00554016605 : f32
        %mul3A_430 = vector.broadcast %mul3A_429 : f32 to vector<16xf32>
        %mul3A_431 = arith.mulf %convert_element_type3A_428, %mul3A_430 : vector<16xf32>
        %sub3A_432 = arith.constant 1.000000e+00 : f32
        %sub3A_433 = vector.broadcast %sub3A_432 : f32 to vector<16xf32>
        %sub3A_434 = arith.subf %mul3A_431, %sub3A_433 : vector<16xf32>
        %bitcast3A_435 = vector.bitcast %sub3A_434 : vector<16xf32> to vector<16xi32>
        %add3A_436 = arith.constant 32767 : i32
        %add3A_437 = vector.broadcast %add3A_436 : i32 to vector<16xi32>
        %add3A_438 = arith.addi %bitcast3A_435, %add3A_437 : vector<16xi32>
        %shift_right_logical3A_439 = arith.constant 16 : i32
        %shift_right_logical3A_440 = vector.broadcast %shift_right_logical3A_439 : i32 to vector<16xi32>
        %shift_right_logical3A_441 = arith.shrui %bitcast3A_435, %shift_right_logical3A_440 : vector<16xi32>
        %and3A_442 = arith.constant 1 : i32
        %and3A_443 = vector.broadcast %and3A_442 : i32 to vector<16xi32>
        %and3A_444 = arith.andi %shift_right_logical3A_441, %and3A_443 : vector<16xi32>
        %add3A_445 = arith.addi %add3A_438, %and3A_444 : vector<16xi32>
        %and3A_446 = arith.constant -65536 : i32
        %and3A_447 = vector.broadcast %and3A_446 : i32 to vector<16xi32>
        %and3A_448 = arith.andi %add3A_445, %and3A_447 : vector<16xi32>
        %bitcast3A_449 = vector.bitcast %and3A_448 : vector<16xi32> to vector<16xf32>
        %mul3A_450 = arith.mulf %bitcast3A_57, %bitcast3A_449 : vector<16xf32>
        %add3A_451 = arith.addf %mul3A_450, %gather3A_66 : vector<16xf32>
        %add3A_452 = arith.constant 1.000000e+00 : f32
        %add3A_453 = vector.broadcast %add3A_452 : f32 to vector<16xf32>
        %add3A_454 = arith.addf %add3A_451, %add3A_453 : vector<16xf32>
        %mul3A_455 = arith.constant 2.550000e+02 : f32
        %mul3A_456 = vector.broadcast %mul3A_455 : f32 to vector<16xf32>
        %mul3A_457 = arith.mulf %add3A_454, %mul3A_456 : vector<16xf32>
        %mul3A_458 = arith.constant 5.000000e-01 : f32
        %mul3A_459 = vector.broadcast %mul3A_458 : f32 to vector<16xf32>
        %mul3A_460 = arith.mulf %mul3A_457, %mul3A_459 : vector<16xf32>
        %max3A_461 = arith.constant 0.000000e+00 : f32
        %max3A_462 = vector.broadcast %max3A_461 : f32 to vector<16xf32>
        %max3A_463 = arith.maximumf %mul3A_460, %max3A_462 : vector<16xf32>
        %min3A_464 = arith.constant 2.550000e+02 : f32
        %min3A_465 = vector.broadcast %min3A_464 : f32 to vector<16xf32>
        %min3A_466 = arith.minimumf %max3A_463, %min3A_465 : vector<16xf32>
        %add3A_467 = arith.constant 5.000000e-01 : f32
        %add3A_468 = vector.broadcast %add3A_467 : f32 to vector<16xf32>
        %add3A_469 = arith.addf %min3A_466, %add3A_468 : vector<16xf32>
        %convert_element_type3A_470 = arith.fptosi %add3A_469 : vector<16xf32> to vector<16xi32>
        %convert_element_type3A_471 = arith.sitofp %convert_element_type3A_470 : vector<16xi32> to vector<16xf32>
        %eq3A_472 = arith.cmpf oeq, %convert_element_type3A_471, %add3A_469 : vector<16xf32>
        %and3A_473 = arith.constant 1 : i32
        %and3A_474 = vector.broadcast %and3A_473 : i32 to vector<16xi32>
        %and3A_475 = arith.andi %convert_element_type3A_470, %and3A_474 : vector<16xi32>
        %eq3A_476 = arith.constant 1 : i32
        %eq3A_477 = vector.broadcast %eq3A_476 : i32 to vector<16xi32>
        %eq3A_478 = arith.cmpi eq, %and3A_475, %eq3A_477 : vector<16xi32>
        %and3A_479 = arith.andi %eq3A_472, %eq3A_478 : vector<16xi1>
        %sub3A_480 = arith.constant 1 : i32
        %sub3A_481 = vector.broadcast %sub3A_480 : i32 to vector<16xi32>
        %sub3A_482 = arith.subi %convert_element_type3A_470, %sub3A_481 : vector<16xi32>
        %select_n3A_483 = arith.select %and3A_479, %sub3A_482, %convert_element_type3A_470 : vector<16xi1>, vector<16xi32>
        %mul3A_484 = arith.constant 16 : i32
        %mul3A_485 = arith.muli %scan3A_423, %mul3A_484 : i32
        %swap3A_486 = arith.index_cast %mul3A_485 : i32 to index
        %swap3A_487 = tpu.vector_load %arg9[%swap3A_486] {strides = array<i32>} : memref<384xi32, #tpu.memory_space<vmem>>, vector<16xi32>,
        tpu.vector_store %arg9[%swap3A_486], %select_n3A_483 {strides = array<i32>} : memref<384xi32, #tpu.memory_space<vmem>>, vector<16xi32>,
      }
      %scan3A_167 = arith.constant 24 : i32
      %dma_wait3A = arith.constant 0 : i32
      %dma_wait3A_168 = arith.constant 0 : i32
      %dma_wait3A_169 = tpu.memref_slice %arg2[%dma_wait3A, %dma_wait3A_168] : memref<65536x256xf32, #tpu.memory_space<hbm>> -> memref<65536x256xf32, #tpu.memory_space<hbm>>
      tpu.wait_indirect_dma semaphore(%arg12 : memref<!tpu.dma_semaphore, #tpu.memory_space<semaphore_mem>>) src(%dma_wait3A_169 : memref<65536x256xf32, #tpu.memory_space<hbm>>) dst(%arg10 : memref<16x256xf32, #tpu.memory_space<vmem>>)
      %get3A = arith.constant 0 : index
      %get3A_170 = tpu.vector_load %arg9[%get3A] {strides = array<i32>} : memref<384xi32, #tpu.memory_space<vmem>>, vector<16xi32>,
      %get3A_171 = arith.constant 16 : index
      %get3A_172 = tpu.vector_load %arg9[%get3A_171] {strides = array<i32>} : memref<384xi32, #tpu.memory_space<vmem>>, vector<16xi32>,
      %get3A_173 = arith.constant 32 : index
      %get3A_174 = tpu.vector_load %arg9[%get3A_173] {strides = array<i32>} : memref<384xi32, #tpu.memory_space<vmem>>, vector<16xi32>,
      %get3A_175 = arith.constant 48 : index
      %get3A_176 = tpu.vector_load %arg9[%get3A_175] {strides = array<i32>} : memref<384xi32, #tpu.memory_space<vmem>>, vector<16xi32>,
      %get3A_177 = arith.constant 64 : index
      %get3A_178 = tpu.vector_load %arg9[%get3A_177] {strides = array<i32>} : memref<384xi32, #tpu.memory_space<vmem>>, vector<16xi32>,
      %get3A_179 = arith.constant 80 : index
      %get3A_180 = tpu.vector_load %arg9[%get3A_179] {strides = array<i32>} : memref<384xi32, #tpu.memory_space<vmem>>, vector<16xi32>,
      %get3A_181 = arith.constant 96 : index
      %get3A_182 = tpu.vector_load %arg9[%get3A_181] {strides = array<i32>} : memref<384xi32, #tpu.memory_space<vmem>>, vector<16xi32>,
      %get3A_183 = arith.constant 112 : index
      %get3A_184 = tpu.vector_load %arg9[%get3A_183] {strides = array<i32>} : memref<384xi32, #tpu.memory_space<vmem>>, vector<16xi32>,
      %get3A_185 = arith.constant 128 : index
      %get3A_186 = tpu.vector_load %arg9[%get3A_185] {strides = array<i32>} : memref<384xi32, #tpu.memory_space<vmem>>, vector<16xi32>,
      %get3A_187 = arith.constant 144 : index
      %get3A_188 = tpu.vector_load %arg9[%get3A_187] {strides = array<i32>} : memref<384xi32, #tpu.memory_space<vmem>>, vector<16xi32>,
      %get3A_189 = arith.constant 160 : index
      %get3A_190 = tpu.vector_load %arg9[%get3A_189] {strides = array<i32>} : memref<384xi32, #tpu.memory_space<vmem>>, vector<16xi32>,
      %get3A_191 = arith.constant 176 : index
      %get3A_192 = tpu.vector_load %arg9[%get3A_191] {strides = array<i32>} : memref<384xi32, #tpu.memory_space<vmem>>, vector<16xi32>,
      %get3A_193 = arith.constant 192 : index
      %get3A_194 = tpu.vector_load %arg9[%get3A_193] {strides = array<i32>} : memref<384xi32, #tpu.memory_space<vmem>>, vector<16xi32>,
      %get3A_195 = arith.constant 208 : index
      %get3A_196 = tpu.vector_load %arg9[%get3A_195] {strides = array<i32>} : memref<384xi32, #tpu.memory_space<vmem>>, vector<16xi32>,
      %get3A_197 = arith.constant 224 : index
      %get3A_198 = tpu.vector_load %arg9[%get3A_197] {strides = array<i32>} : memref<384xi32, #tpu.memory_space<vmem>>, vector<16xi32>,
      %get3A_199 = arith.constant 240 : index
      %get3A_200 = tpu.vector_load %arg9[%get3A_199] {strides = array<i32>} : memref<384xi32, #tpu.memory_space<vmem>>, vector<16xi32>,
      %get3A_201 = arith.constant 256 : index
      %get3A_202 = tpu.vector_load %arg9[%get3A_201] {strides = array<i32>} : memref<384xi32, #tpu.memory_space<vmem>>, vector<16xi32>,
      %get3A_203 = arith.constant 272 : index
      %get3A_204 = tpu.vector_load %arg9[%get3A_203] {strides = array<i32>} : memref<384xi32, #tpu.memory_space<vmem>>, vector<16xi32>,
      %get3A_205 = arith.constant 288 : index
      %get3A_206 = tpu.vector_load %arg9[%get3A_205] {strides = array<i32>} : memref<384xi32, #tpu.memory_space<vmem>>, vector<16xi32>,
      %get3A_207 = arith.constant 304 : index
      %get3A_208 = tpu.vector_load %arg9[%get3A_207] {strides = array<i32>} : memref<384xi32, #tpu.memory_space<vmem>>, vector<16xi32>,
      %get3A_209 = arith.constant 320 : index
      %get3A_210 = tpu.vector_load %arg9[%get3A_209] {strides = array<i32>} : memref<384xi32, #tpu.memory_space<vmem>>, vector<16xi32>,
      %get3A_211 = arith.constant 336 : index
      %get3A_212 = tpu.vector_load %arg9[%get3A_211] {strides = array<i32>} : memref<384xi32, #tpu.memory_space<vmem>>, vector<16xi32>,
      %get3A_213 = arith.constant 352 : index
      %get3A_214 = tpu.vector_load %arg9[%get3A_213] {strides = array<i32>} : memref<384xi32, #tpu.memory_space<vmem>>, vector<16xi32>,
      %get3A_215 = arith.constant 368 : index
      %get3A_216 = tpu.vector_load %arg9[%get3A_215] {strides = array<i32>} : memref<384xi32, #tpu.memory_space<vmem>>, vector<16xi32>,
      %scan3A_217 = arith.constant 0 : i32
      %scan3A_218 = arith.constant 0 : i32
      %scan3A_219 = arith.constant 16 : i32
      %scan3A_220 = arith.addi %scan3A_218, %scan3A_219 : i32
      %scan3A_221 = arith.constant 2 : i32
      scf.for %scan3A_225 = %scan3A_218 to %scan3A_220 step %scan3A_221  : i32 {
        %broadcast_in_dim3A_226 = arith.constant 0 : i32
        %broadcast_in_dim3A_227 = vector.broadcast %broadcast_in_dim3A_226 : i32 to vector<16xi32>
        %add3A_228 = vector.broadcast %scan3A_225 : i32 to vector<16xi32>
        %add3A_229 = arith.addi %broadcast_in_dim3A_227, %add3A_228 : vector<16xi32>
        %gather3A_230 = tpu.vector_load_idx %arg10[%add3A_229, %get3A_170] : memref<16x256xf32, #tpu.memory_space<vmem>>[vector<16xi32>, vector<16xi32>], vector<16xf32>,
        %swap3A_231 = arith.index_cast %scan3A_225 : i32 to index
        %swap3A_232 = arith.constant 0 : index
        %swap3A_233 = tpu.vector_load %arg11[%swap3A_231, %swap3A_232] {strides = array<i32>} : memref<16x384xf32, #tpu.memory_space<vmem>>, vector<16xf32>,
        tpu.vector_store %arg11[%swap3A_231, %swap3A_232], %gather3A_230 {strides = array<i32>} : memref<16x384xf32, #tpu.memory_space<vmem>>, vector<16xf32>,
        %gather3A_234 = tpu.vector_load_idx %arg10[%add3A_229, %get3A_172] : memref<16x256xf32, #tpu.memory_space<vmem>>[vector<16xi32>, vector<16xi32>], vector<16xf32>,
        %swap3A_235 = arith.index_cast %scan3A_225 : i32 to index
        %swap3A_236 = arith.constant 16 : index
        %swap3A_237 = tpu.vector_load %arg11[%swap3A_235, %swap3A_236] {strides = array<i32>} : memref<16x384xf32, #tpu.memory_space<vmem>>, vector<16xf32>,
        tpu.vector_store %arg11[%swap3A_235, %swap3A_236], %gather3A_234 {strides = array<i32>} : memref<16x384xf32, #tpu.memory_space<vmem>>, vector<16xf32>,
        %gather3A_238 = tpu.vector_load_idx %arg10[%add3A_229, %get3A_174] : memref<16x256xf32, #tpu.memory_space<vmem>>[vector<16xi32>, vector<16xi32>], vector<16xf32>,
        %swap3A_239 = arith.index_cast %scan3A_225 : i32 to index
        %swap3A_240 = arith.constant 32 : index
        %swap3A_241 = tpu.vector_load %arg11[%swap3A_239, %swap3A_240] {strides = array<i32>} : memref<16x384xf32, #tpu.memory_space<vmem>>, vector<16xf32>,
        tpu.vector_store %arg11[%swap3A_239, %swap3A_240], %gather3A_238 {strides = array<i32>} : memref<16x384xf32, #tpu.memory_space<vmem>>, vector<16xf32>,
        %gather3A_242 = tpu.vector_load_idx %arg10[%add3A_229, %get3A_176] : memref<16x256xf32, #tpu.memory_space<vmem>>[vector<16xi32>, vector<16xi32>], vector<16xf32>,
        %swap3A_243 = arith.index_cast %scan3A_225 : i32 to index
        %swap3A_244 = arith.constant 48 : index
        %swap3A_245 = tpu.vector_load %arg11[%swap3A_243, %swap3A_244] {strides = array<i32>} : memref<16x384xf32, #tpu.memory_space<vmem>>, vector<16xf32>,
        tpu.vector_store %arg11[%swap3A_243, %swap3A_244], %gather3A_242 {strides = array<i32>} : memref<16x384xf32, #tpu.memory_space<vmem>>, vector<16xf32>,
        %gather3A_246 = tpu.vector_load_idx %arg10[%add3A_229, %get3A_178] : memref<16x256xf32, #tpu.memory_space<vmem>>[vector<16xi32>, vector<16xi32>], vector<16xf32>,
        %swap3A_247 = arith.index_cast %scan3A_225 : i32 to index
        %swap3A_248 = arith.constant 64 : index
        %swap3A_249 = tpu.vector_load %arg11[%swap3A_247, %swap3A_248] {strides = array<i32>} : memref<16x384xf32, #tpu.memory_space<vmem>>, vector<16xf32>,
        tpu.vector_store %arg11[%swap3A_247, %swap3A_248], %gather3A_246 {strides = array<i32>} : memref<16x384xf32, #tpu.memory_space<vmem>>, vector<16xf32>,
        %gather3A_250 = tpu.vector_load_idx %arg10[%add3A_229, %get3A_180] : memref<16x256xf32, #tpu.memory_space<vmem>>[vector<16xi32>, vector<16xi32>], vector<16xf32>,
        %swap3A_251 = arith.index_cast %scan3A_225 : i32 to index
        %swap3A_252 = arith.constant 80 : index
        %swap3A_253 = tpu.vector_load %arg11[%swap3A_251, %swap3A_252] {strides = array<i32>} : memref<16x384xf32, #tpu.memory_space<vmem>>, vector<16xf32>,
        tpu.vector_store %arg11[%swap3A_251, %swap3A_252], %gather3A_250 {strides = array<i32>} : memref<16x384xf32, #tpu.memory_space<vmem>>, vector<16xf32>,
        %gather3A_254 = tpu.vector_load_idx %arg10[%add3A_229, %get3A_182] : memref<16x256xf32, #tpu.memory_space<vmem>>[vector<16xi32>, vector<16xi32>], vector<16xf32>,
        %swap3A_255 = arith.index_cast %scan3A_225 : i32 to index
        %swap3A_256 = arith.constant 96 : index
        %swap3A_257 = tpu.vector_load %arg11[%swap3A_255, %swap3A_256] {strides = array<i32>} : memref<16x384xf32, #tpu.memory_space<vmem>>, vector<16xf32>,
        tpu.vector_store %arg11[%swap3A_255, %swap3A_256], %gather3A_254 {strides = array<i32>} : memref<16x384xf32, #tpu.memory_space<vmem>>, vector<16xf32>,
        %gather3A_258 = tpu.vector_load_idx %arg10[%add3A_229, %get3A_184] : memref<16x256xf32, #tpu.memory_space<vmem>>[vector<16xi32>, vector<16xi32>], vector<16xf32>,
        %swap3A_259 = arith.index_cast %scan3A_225 : i32 to index
        %swap3A_260 = arith.constant 112 : index
        %swap3A_261 = tpu.vector_load %arg11[%swap3A_259, %swap3A_260] {strides = array<i32>} : memref<16x384xf32, #tpu.memory_space<vmem>>, vector<16xf32>,
        tpu.vector_store %arg11[%swap3A_259, %swap3A_260], %gather3A_258 {strides = array<i32>} : memref<16x384xf32, #tpu.memory_space<vmem>>, vector<16xf32>,
        %gather3A_262 = tpu.vector_load_idx %arg10[%add3A_229, %get3A_186] : memref<16x256xf32, #tpu.memory_space<vmem>>[vector<16xi32>, vector<16xi32>], vector<16xf32>,
        %swap3A_263 = arith.index_cast %scan3A_225 : i32 to index
        %swap3A_264 = arith.constant 128 : index
        %swap3A_265 = tpu.vector_load %arg11[%swap3A_263, %swap3A_264] {strides = array<i32>} : memref<16x384xf32, #tpu.memory_space<vmem>>, vector<16xf32>,
        tpu.vector_store %arg11[%swap3A_263, %swap3A_264], %gather3A_262 {strides = array<i32>} : memref<16x384xf32, #tpu.memory_space<vmem>>, vector<16xf32>,
        %gather3A_266 = tpu.vector_load_idx %arg10[%add3A_229, %get3A_188] : memref<16x256xf32, #tpu.memory_space<vmem>>[vector<16xi32>, vector<16xi32>], vector<16xf32>,
        %swap3A_267 = arith.index_cast %scan3A_225 : i32 to index
        %swap3A_268 = arith.constant 144 : index
        %swap3A_269 = tpu.vector_load %arg11[%swap3A_267, %swap3A_268] {strides = array<i32>} : memref<16x384xf32, #tpu.memory_space<vmem>>, vector<16xf32>,
        tpu.vector_store %arg11[%swap3A_267, %swap3A_268], %gather3A_266 {strides = array<i32>} : memref<16x384xf32, #tpu.memory_space<vmem>>, vector<16xf32>,
        %gather3A_270 = tpu.vector_load_idx %arg10[%add3A_229, %get3A_190] : memref<16x256xf32, #tpu.memory_space<vmem>>[vector<16xi32>, vector<16xi32>], vector<16xf32>,
        %swap3A_271 = arith.index_cast %scan3A_225 : i32 to index
        %swap3A_272 = arith.constant 160 : index
        %swap3A_273 = tpu.vector_load %arg11[%swap3A_271, %swap3A_272] {strides = array<i32>} : memref<16x384xf32, #tpu.memory_space<vmem>>, vector<16xf32>,
        tpu.vector_store %arg11[%swap3A_271, %swap3A_272], %gather3A_270 {strides = array<i32>} : memref<16x384xf32, #tpu.memory_space<vmem>>, vector<16xf32>,
        %gather3A_274 = tpu.vector_load_idx %arg10[%add3A_229, %get3A_192] : memref<16x256xf32, #tpu.memory_space<vmem>>[vector<16xi32>, vector<16xi32>], vector<16xf32>,
        %swap3A_275 = arith.index_cast %scan3A_225 : i32 to index
        %swap3A_276 = arith.constant 176 : index
        %swap3A_277 = tpu.vector_load %arg11[%swap3A_275, %swap3A_276] {strides = array<i32>} : memref<16x384xf32, #tpu.memory_space<vmem>>, vector<16xf32>,
        tpu.vector_store %arg11[%swap3A_275, %swap3A_276], %gather3A_274 {strides = array<i32>} : memref<16x384xf32, #tpu.memory_space<vmem>>, vector<16xf32>,
        %gather3A_278 = tpu.vector_load_idx %arg10[%add3A_229, %get3A_194] : memref<16x256xf32, #tpu.memory_space<vmem>>[vector<16xi32>, vector<16xi32>], vector<16xf32>,
        %swap3A_279 = arith.index_cast %scan3A_225 : i32 to index
        %swap3A_280 = arith.constant 192 : index
        %swap3A_281 = tpu.vector_load %arg11[%swap3A_279, %swap3A_280] {strides = array<i32>} : memref<16x384xf32, #tpu.memory_space<vmem>>, vector<16xf32>,
        tpu.vector_store %arg11[%swap3A_279, %swap3A_280], %gather3A_278 {strides = array<i32>} : memref<16x384xf32, #tpu.memory_space<vmem>>, vector<16xf32>,
        %gather3A_282 = tpu.vector_load_idx %arg10[%add3A_229, %get3A_196] : memref<16x256xf32, #tpu.memory_space<vmem>>[vector<16xi32>, vector<16xi32>], vector<16xf32>,
        %swap3A_283 = arith.index_cast %scan3A_225 : i32 to index
        %swap3A_284 = arith.constant 208 : index
        %swap3A_285 = tpu.vector_load %arg11[%swap3A_283, %swap3A_284] {strides = array<i32>} : memref<16x384xf32, #tpu.memory_space<vmem>>, vector<16xf32>,
        tpu.vector_store %arg11[%swap3A_283, %swap3A_284], %gather3A_282 {strides = array<i32>} : memref<16x384xf32, #tpu.memory_space<vmem>>, vector<16xf32>,
        %gather3A_286 = tpu.vector_load_idx %arg10[%add3A_229, %get3A_198] : memref<16x256xf32, #tpu.memory_space<vmem>>[vector<16xi32>, vector<16xi32>], vector<16xf32>,
        %swap3A_287 = arith.index_cast %scan3A_225 : i32 to index
        %swap3A_288 = arith.constant 224 : index
        %swap3A_289 = tpu.vector_load %arg11[%swap3A_287, %swap3A_288] {strides = array<i32>} : memref<16x384xf32, #tpu.memory_space<vmem>>, vector<16xf32>,
        tpu.vector_store %arg11[%swap3A_287, %swap3A_288], %gather3A_286 {strides = array<i32>} : memref<16x384xf32, #tpu.memory_space<vmem>>, vector<16xf32>,
        %gather3A_290 = tpu.vector_load_idx %arg10[%add3A_229, %get3A_200] : memref<16x256xf32, #tpu.memory_space<vmem>>[vector<16xi32>, vector<16xi32>], vector<16xf32>,
        %swap3A_291 = arith.index_cast %scan3A_225 : i32 to index
        %swap3A_292 = arith.constant 240 : index
        %swap3A_293 = tpu.vector_load %arg11[%swap3A_291, %swap3A_292] {strides = array<i32>} : memref<16x384xf32, #tpu.memory_space<vmem>>, vector<16xf32>,
        tpu.vector_store %arg11[%swap3A_291, %swap3A_292], %gather3A_290 {strides = array<i32>} : memref<16x384xf32, #tpu.memory_space<vmem>>, vector<16xf32>,
        %gather3A_294 = tpu.vector_load_idx %arg10[%add3A_229, %get3A_202] : memref<16x256xf32, #tpu.memory_space<vmem>>[vector<16xi32>, vector<16xi32>], vector<16xf32>,
        %swap3A_295 = arith.index_cast %scan3A_225 : i32 to index
        %swap3A_296 = arith.constant 256 : index
        %swap3A_297 = tpu.vector_load %arg11[%swap3A_295, %swap3A_296] {strides = array<i32>} : memref<16x384xf32, #tpu.memory_space<vmem>>, vector<16xf32>,
        tpu.vector_store %arg11[%swap3A_295, %swap3A_296], %gather3A_294 {strides = array<i32>} : memref<16x384xf32, #tpu.memory_space<vmem>>, vector<16xf32>,
        %gather3A_298 = tpu.vector_load_idx %arg10[%add3A_229, %get3A_204] : memref<16x256xf32, #tpu.memory_space<vmem>>[vector<16xi32>, vector<16xi32>], vector<16xf32>,
        %swap3A_299 = arith.index_cast %scan3A_225 : i32 to index
        %swap3A_300 = arith.constant 272 : index
        %swap3A_301 = tpu.vector_load %arg11[%swap3A_299, %swap3A_300] {strides = array<i32>} : memref<16x384xf32, #tpu.memory_space<vmem>>, vector<16xf32>,
        tpu.vector_store %arg11[%swap3A_299, %swap3A_300], %gather3A_298 {strides = array<i32>} : memref<16x384xf32, #tpu.memory_space<vmem>>, vector<16xf32>,
        %gather3A_302 = tpu.vector_load_idx %arg10[%add3A_229, %get3A_206] : memref<16x256xf32, #tpu.memory_space<vmem>>[vector<16xi32>, vector<16xi32>], vector<16xf32>,
        %swap3A_303 = arith.index_cast %scan3A_225 : i32 to index
        %swap3A_304 = arith.constant 288 : index
        %swap3A_305 = tpu.vector_load %arg11[%swap3A_303, %swap3A_304] {strides = array<i32>} : memref<16x384xf32, #tpu.memory_space<vmem>>, vector<16xf32>,
        tpu.vector_store %arg11[%swap3A_303, %swap3A_304], %gather3A_302 {strides = array<i32>} : memref<16x384xf32, #tpu.memory_space<vmem>>, vector<16xf32>,
        %gather3A_306 = tpu.vector_load_idx %arg10[%add3A_229, %get3A_208] : memref<16x256xf32, #tpu.memory_space<vmem>>[vector<16xi32>, vector<16xi32>], vector<16xf32>,
        %swap3A_307 = arith.index_cast %scan3A_225 : i32 to index
        %swap3A_308 = arith.constant 304 : index
        %swap3A_309 = tpu.vector_load %arg11[%swap3A_307, %swap3A_308] {strides = array<i32>} : memref<16x384xf32, #tpu.memory_space<vmem>>, vector<16xf32>,
        tpu.vector_store %arg11[%swap3A_307, %swap3A_308], %gather3A_306 {strides = array<i32>} : memref<16x384xf32, #tpu.memory_space<vmem>>, vector<16xf32>,
        %gather3A_310 = tpu.vector_load_idx %arg10[%add3A_229, %get3A_210] : memref<16x256xf32, #tpu.memory_space<vmem>>[vector<16xi32>, vector<16xi32>], vector<16xf32>,
        %swap3A_311 = arith.index_cast %scan3A_225 : i32 to index
        %swap3A_312 = arith.constant 320 : index
        %swap3A_313 = tpu.vector_load %arg11[%swap3A_311, %swap3A_312] {strides = array<i32>} : memref<16x384xf32, #tpu.memory_space<vmem>>, vector<16xf32>,
        tpu.vector_store %arg11[%swap3A_311, %swap3A_312], %gather3A_310 {strides = array<i32>} : memref<16x384xf32, #tpu.memory_space<vmem>>, vector<16xf32>,
        %gather3A_314 = tpu.vector_load_idx %arg10[%add3A_229, %get3A_212] : memref<16x256xf32, #tpu.memory_space<vmem>>[vector<16xi32>, vector<16xi32>], vector<16xf32>,
        %swap3A_315 = arith.index_cast %scan3A_225 : i32 to index
        %swap3A_316 = arith.constant 336 : index
        %swap3A_317 = tpu.vector_load %arg11[%swap3A_315, %swap3A_316] {strides = array<i32>} : memref<16x384xf32, #tpu.memory_space<vmem>>, vector<16xf32>,
        tpu.vector_store %arg11[%swap3A_315, %swap3A_316], %gather3A_314 {strides = array<i32>} : memref<16x384xf32, #tpu.memory_space<vmem>>, vector<16xf32>,
        %gather3A_318 = tpu.vector_load_idx %arg10[%add3A_229, %get3A_214] : memref<16x256xf32, #tpu.memory_space<vmem>>[vector<16xi32>, vector<16xi32>], vector<16xf32>,
        %swap3A_319 = arith.index_cast %scan3A_225 : i32 to index
        %swap3A_320 = arith.constant 352 : index
        %swap3A_321 = tpu.vector_load %arg11[%swap3A_319, %swap3A_320] {strides = array<i32>} : memref<16x384xf32, #tpu.memory_space<vmem>>, vector<16xf32>,
        tpu.vector_store %arg11[%swap3A_319, %swap3A_320], %gather3A_318 {strides = array<i32>} : memref<16x384xf32, #tpu.memory_space<vmem>>, vector<16xf32>,
        %gather3A_322 = tpu.vector_load_idx %arg10[%add3A_229, %get3A_216] : memref<16x256xf32, #tpu.memory_space<vmem>>[vector<16xi32>, vector<16xi32>], vector<16xf32>,
        %swap3A_323 = arith.index_cast %scan3A_225 : i32 to index
        %swap3A_324 = arith.constant 368 : index
        %swap3A_325 = tpu.vector_load %arg11[%swap3A_323, %swap3A_324] {strides = array<i32>} : memref<16x384xf32, #tpu.memory_space<vmem>>, vector<16xf32>,
        tpu.vector_store %arg11[%swap3A_323, %swap3A_324], %gather3A_322 {strides = array<i32>} : memref<16x384xf32, #tpu.memory_space<vmem>>, vector<16xf32>,
        %scan3A_326 = arith.constant 1 : i32
        %scan3A_327 = arith.addi %scan3A_225, %scan3A_326 : i32
        %broadcast_in_dim3A_328 = arith.constant 0 : i32
        %broadcast_in_dim3A_329 = vector.broadcast %broadcast_in_dim3A_328 : i32 to vector<16xi32>
        %add3A_330 = vector.broadcast %scan3A_327 : i32 to vector<16xi32>
        %add3A_331 = arith.addi %broadcast_in_dim3A_329, %add3A_330 : vector<16xi32>
        %gather3A_332 = tpu.vector_load_idx %arg10[%add3A_331, %get3A_170] : memref<16x256xf32, #tpu.memory_space<vmem>>[vector<16xi32>, vector<16xi32>], vector<16xf32>,
        %swap3A_333 = arith.index_cast %scan3A_327 : i32 to index
        %swap3A_334 = arith.constant 0 : index
        %swap3A_335 = tpu.vector_load %arg11[%swap3A_333, %swap3A_334] {strides = array<i32>} : memref<16x384xf32, #tpu.memory_space<vmem>>, vector<16xf32>,
        tpu.vector_store %arg11[%swap3A_333, %swap3A_334], %gather3A_332 {strides = array<i32>} : memref<16x384xf32, #tpu.memory_space<vmem>>, vector<16xf32>,
        %gather3A_336 = tpu.vector_load_idx %arg10[%add3A_331, %get3A_172] : memref<16x256xf32, #tpu.memory_space<vmem>>[vector<16xi32>, vector<16xi32>], vector<16xf32>,
        %swap3A_337 = arith.index_cast %scan3A_327 : i32 to index
        %swap3A_338 = arith.constant 16 : index
        %swap3A_339 = tpu.vector_load %arg11[%swap3A_337, %swap3A_338] {strides = array<i32>} : memref<16x384xf32, #tpu.memory_space<vmem>>, vector<16xf32>,
        tpu.vector_store %arg11[%swap3A_337, %swap3A_338], %gather3A_336 {strides = array<i32>} : memref<16x384xf32, #tpu.memory_space<vmem>>, vector<16xf32>,
        %gather3A_340 = tpu.vector_load_idx %arg10[%add3A_331, %get3A_174] : memref<16x256xf32, #tpu.memory_space<vmem>>[vector<16xi32>, vector<16xi32>], vector<16xf32>,
        %swap3A_341 = arith.index_cast %scan3A_327 : i32 to index
        %swap3A_342 = arith.constant 32 : index
        %swap3A_343 = tpu.vector_load %arg11[%swap3A_341, %swap3A_342] {strides = array<i32>} : memref<16x384xf32, #tpu.memory_space<vmem>>, vector<16xf32>,
        tpu.vector_store %arg11[%swap3A_341, %swap3A_342], %gather3A_340 {strides = array<i32>} : memref<16x384xf32, #tpu.memory_space<vmem>>, vector<16xf32>,
        %gather3A_344 = tpu.vector_load_idx %arg10[%add3A_331, %get3A_176] : memref<16x256xf32, #tpu.memory_space<vmem>>[vector<16xi32>, vector<16xi32>], vector<16xf32>,
        %swap3A_345 = arith.index_cast %scan3A_327 : i32 to index
        %swap3A_346 = arith.constant 48 : index
        %swap3A_347 = tpu.vector_load %arg11[%swap3A_345, %swap3A_346] {strides = array<i32>} : memref<16x384xf32, #tpu.memory_space<vmem>>, vector<16xf32>,
        tpu.vector_store %arg11[%swap3A_345, %swap3A_346], %gather3A_344 {strides = array<i32>} : memref<16x384xf32, #tpu.memory_space<vmem>>, vector<16xf32>,
        %gather3A_348 = tpu.vector_load_idx %arg10[%add3A_331, %get3A_178] : memref<16x256xf32, #tpu.memory_space<vmem>>[vector<16xi32>, vector<16xi32>], vector<16xf32>,
        %swap3A_349 = arith.index_cast %scan3A_327 : i32 to index
        %swap3A_350 = arith.constant 64 : index
        %swap3A_351 = tpu.vector_load %arg11[%swap3A_349, %swap3A_350] {strides = array<i32>} : memref<16x384xf32, #tpu.memory_space<vmem>>, vector<16xf32>,
        tpu.vector_store %arg11[%swap3A_349, %swap3A_350], %gather3A_348 {strides = array<i32>} : memref<16x384xf32, #tpu.memory_space<vmem>>, vector<16xf32>,
        %gather3A_352 = tpu.vector_load_idx %arg10[%add3A_331, %get3A_180] : memref<16x256xf32, #tpu.memory_space<vmem>>[vector<16xi32>, vector<16xi32>], vector<16xf32>,
        %swap3A_353 = arith.index_cast %scan3A_327 : i32 to index
        %swap3A_354 = arith.constant 80 : index
        %swap3A_355 = tpu.vector_load %arg11[%swap3A_353, %swap3A_354] {strides = array<i32>} : memref<16x384xf32, #tpu.memory_space<vmem>>, vector<16xf32>,
        tpu.vector_store %arg11[%swap3A_353, %swap3A_354], %gather3A_352 {strides = array<i32>} : memref<16x384xf32, #tpu.memory_space<vmem>>, vector<16xf32>,
        %gather3A_356 = tpu.vector_load_idx %arg10[%add3A_331, %get3A_182] : memref<16x256xf32, #tpu.memory_space<vmem>>[vector<16xi32>, vector<16xi32>], vector<16xf32>,
        %swap3A_357 = arith.index_cast %scan3A_327 : i32 to index
        %swap3A_358 = arith.constant 96 : index
        %swap3A_359 = tpu.vector_load %arg11[%swap3A_357, %swap3A_358] {strides = array<i32>} : memref<16x384xf32, #tpu.memory_space<vmem>>, vector<16xf32>,
        tpu.vector_store %arg11[%swap3A_357, %swap3A_358], %gather3A_356 {strides = array<i32>} : memref<16x384xf32, #tpu.memory_space<vmem>>, vector<16xf32>,
        %gather3A_360 = tpu.vector_load_idx %arg10[%add3A_331, %get3A_184] : memref<16x256xf32, #tpu.memory_space<vmem>>[vector<16xi32>, vector<16xi32>], vector<16xf32>,
        %swap3A_361 = arith.index_cast %scan3A_327 : i32 to index
        %swap3A_362 = arith.constant 112 : index
        %swap3A_363 = tpu.vector_load %arg11[%swap3A_361, %swap3A_362] {strides = array<i32>} : memref<16x384xf32, #tpu.memory_space<vmem>>, vector<16xf32>,
        tpu.vector_store %arg11[%swap3A_361, %swap3A_362], %gather3A_360 {strides = array<i32>} : memref<16x384xf32, #tpu.memory_space<vmem>>, vector<16xf32>,
        %gather3A_364 = tpu.vector_load_idx %arg10[%add3A_331, %get3A_186] : memref<16x256xf32, #tpu.memory_space<vmem>>[vector<16xi32>, vector<16xi32>], vector<16xf32>,
        %swap3A_365 = arith.index_cast %scan3A_327 : i32 to index
        %swap3A_366 = arith.constant 128 : index
        %swap3A_367 = tpu.vector_load %arg11[%swap3A_365, %swap3A_366] {strides = array<i32>} : memref<16x384xf32, #tpu.memory_space<vmem>>, vector<16xf32>,
        tpu.vector_store %arg11[%swap3A_365, %swap3A_366], %gather3A_364 {strides = array<i32>} : memref<16x384xf32, #tpu.memory_space<vmem>>, vector<16xf32>,
        %gather3A_368 = tpu.vector_load_idx %arg10[%add3A_331, %get3A_188] : memref<16x256xf32, #tpu.memory_space<vmem>>[vector<16xi32>, vector<16xi32>], vector<16xf32>,
        %swap3A_369 = arith.index_cast %scan3A_327 : i32 to index
        %swap3A_370 = arith.constant 144 : index
        %swap3A_371 = tpu.vector_load %arg11[%swap3A_369, %swap3A_370] {strides = array<i32>} : memref<16x384xf32, #tpu.memory_space<vmem>>, vector<16xf32>,
        tpu.vector_store %arg11[%swap3A_369, %swap3A_370], %gather3A_368 {strides = array<i32>} : memref<16x384xf32, #tpu.memory_space<vmem>>, vector<16xf32>,
        %gather3A_372 = tpu.vector_load_idx %arg10[%add3A_331, %get3A_190] : memref<16x256xf32, #tpu.memory_space<vmem>>[vector<16xi32>, vector<16xi32>], vector<16xf32>,
        %swap3A_373 = arith.index_cast %scan3A_327 : i32 to index
        %swap3A_374 = arith.constant 160 : index
        %swap3A_375 = tpu.vector_load %arg11[%swap3A_373, %swap3A_374] {strides = array<i32>} : memref<16x384xf32, #tpu.memory_space<vmem>>, vector<16xf32>,
        tpu.vector_store %arg11[%swap3A_373, %swap3A_374], %gather3A_372 {strides = array<i32>} : memref<16x384xf32, #tpu.memory_space<vmem>>, vector<16xf32>,
        %gather3A_376 = tpu.vector_load_idx %arg10[%add3A_331, %get3A_192] : memref<16x256xf32, #tpu.memory_space<vmem>>[vector<16xi32>, vector<16xi32>], vector<16xf32>,
        %swap3A_377 = arith.index_cast %scan3A_327 : i32 to index
        %swap3A_378 = arith.constant 176 : index
        %swap3A_379 = tpu.vector_load %arg11[%swap3A_377, %swap3A_378] {strides = array<i32>} : memref<16x384xf32, #tpu.memory_space<vmem>>, vector<16xf32>,
        tpu.vector_store %arg11[%swap3A_377, %swap3A_378], %gather3A_376 {strides = array<i32>} : memref<16x384xf32, #tpu.memory_space<vmem>>, vector<16xf32>,
        %gather3A_380 = tpu.vector_load_idx %arg10[%add3A_331, %get3A_194] : memref<16x256xf32, #tpu.memory_space<vmem>>[vector<16xi32>, vector<16xi32>], vector<16xf32>,
        %swap3A_381 = arith.index_cast %scan3A_327 : i32 to index
        %swap3A_382 = arith.constant 192 : index
        %swap3A_383 = tpu.vector_load %arg11[%swap3A_381, %swap3A_382] {strides = array<i32>} : memref<16x384xf32, #tpu.memory_space<vmem>>, vector<16xf32>,
        tpu.vector_store %arg11[%swap3A_381, %swap3A_382], %gather3A_380 {strides = array<i32>} : memref<16x384xf32, #tpu.memory_space<vmem>>, vector<16xf32>,
        %gather3A_384 = tpu.vector_load_idx %arg10[%add3A_331, %get3A_196] : memref<16x256xf32, #tpu.memory_space<vmem>>[vector<16xi32>, vector<16xi32>], vector<16xf32>,
        %swap3A_385 = arith.index_cast %scan3A_327 : i32 to index
        %swap3A_386 = arith.constant 208 : index
        %swap3A_387 = tpu.vector_load %arg11[%swap3A_385, %swap3A_386] {strides = array<i32>} : memref<16x384xf32, #tpu.memory_space<vmem>>, vector<16xf32>,
        tpu.vector_store %arg11[%swap3A_385, %swap3A_386], %gather3A_384 {strides = array<i32>} : memref<16x384xf32, #tpu.memory_space<vmem>>, vector<16xf32>,
        %gather3A_388 = tpu.vector_load_idx %arg10[%add3A_331, %get3A_198] : memref<16x256xf32, #tpu.memory_space<vmem>>[vector<16xi32>, vector<16xi32>], vector<16xf32>,
        %swap3A_389 = arith.index_cast %scan3A_327 : i32 to index
        %swap3A_390 = arith.constant 224 : index
        %swap3A_391 = tpu.vector_load %arg11[%swap3A_389, %swap3A_390] {strides = array<i32>} : memref<16x384xf32, #tpu.memory_space<vmem>>, vector<16xf32>,
        tpu.vector_store %arg11[%swap3A_389, %swap3A_390], %gather3A_388 {strides = array<i32>} : memref<16x384xf32, #tpu.memory_space<vmem>>, vector<16xf32>,
        %gather3A_392 = tpu.vector_load_idx %arg10[%add3A_331, %get3A_200] : memref<16x256xf32, #tpu.memory_space<vmem>>[vector<16xi32>, vector<16xi32>], vector<16xf32>,
        %swap3A_393 = arith.index_cast %scan3A_327 : i32 to index
        %swap3A_394 = arith.constant 240 : index
        %swap3A_395 = tpu.vector_load %arg11[%swap3A_393, %swap3A_394] {strides = array<i32>} : memref<16x384xf32, #tpu.memory_space<vmem>>, vector<16xf32>,
        tpu.vector_store %arg11[%swap3A_393, %swap3A_394], %gather3A_392 {strides = array<i32>} : memref<16x384xf32, #tpu.memory_space<vmem>>, vector<16xf32>,
        %gather3A_396 = tpu.vector_load_idx %arg10[%add3A_331, %get3A_202] : memref<16x256xf32, #tpu.memory_space<vmem>>[vector<16xi32>, vector<16xi32>], vector<16xf32>,
        %swap3A_397 = arith.index_cast %scan3A_327 : i32 to index
        %swap3A_398 = arith.constant 256 : index
        %swap3A_399 = tpu.vector_load %arg11[%swap3A_397, %swap3A_398] {strides = array<i32>} : memref<16x384xf32, #tpu.memory_space<vmem>>, vector<16xf32>,
        tpu.vector_store %arg11[%swap3A_397, %swap3A_398], %gather3A_396 {strides = array<i32>} : memref<16x384xf32, #tpu.memory_space<vmem>>, vector<16xf32>,
        %gather3A_400 = tpu.vector_load_idx %arg10[%add3A_331, %get3A_204] : memref<16x256xf32, #tpu.memory_space<vmem>>[vector<16xi32>, vector<16xi32>], vector<16xf32>,
        %swap3A_401 = arith.index_cast %scan3A_327 : i32 to index
        %swap3A_402 = arith.constant 272 : index
        %swap3A_403 = tpu.vector_load %arg11[%swap3A_401, %swap3A_402] {strides = array<i32>} : memref<16x384xf32, #tpu.memory_space<vmem>>, vector<16xf32>,
        tpu.vector_store %arg11[%swap3A_401, %swap3A_402], %gather3A_400 {strides = array<i32>} : memref<16x384xf32, #tpu.memory_space<vmem>>, vector<16xf32>,
        %gather3A_404 = tpu.vector_load_idx %arg10[%add3A_331, %get3A_206] : memref<16x256xf32, #tpu.memory_space<vmem>>[vector<16xi32>, vector<16xi32>], vector<16xf32>,
        %swap3A_405 = arith.index_cast %scan3A_327 : i32 to index
        %swap3A_406 = arith.constant 288 : index
        %swap3A_407 = tpu.vector_load %arg11[%swap3A_405, %swap3A_406] {strides = array<i32>} : memref<16x384xf32, #tpu.memory_space<vmem>>, vector<16xf32>,
        tpu.vector_store %arg11[%swap3A_405, %swap3A_406], %gather3A_404 {strides = array<i32>} : memref<16x384xf32, #tpu.memory_space<vmem>>, vector<16xf32>,
        %gather3A_408 = tpu.vector_load_idx %arg10[%add3A_331, %get3A_208] : memref<16x256xf32, #tpu.memory_space<vmem>>[vector<16xi32>, vector<16xi32>], vector<16xf32>,
        %swap3A_409 = arith.index_cast %scan3A_327 : i32 to index
        %swap3A_410 = arith.constant 304 : index
        %swap3A_411 = tpu.vector_load %arg11[%swap3A_409, %swap3A_410] {strides = array<i32>} : memref<16x384xf32, #tpu.memory_space<vmem>>, vector<16xf32>,
        tpu.vector_store %arg11[%swap3A_409, %swap3A_410], %gather3A_408 {strides = array<i32>} : memref<16x384xf32, #tpu.memory_space<vmem>>, vector<16xf32>,
        %gather3A_412 = tpu.vector_load_idx %arg10[%add3A_331, %get3A_210] : memref<16x256xf32, #tpu.memory_space<vmem>>[vector<16xi32>, vector<16xi32>], vector<16xf32>,
        %swap3A_413 = arith.index_cast %scan3A_327 : i32 to index
        %swap3A_414 = arith.constant 320 : index
        %swap3A_415 = tpu.vector_load %arg11[%swap3A_413, %swap3A_414] {strides = array<i32>} : memref<16x384xf32, #tpu.memory_space<vmem>>, vector<16xf32>,
        tpu.vector_store %arg11[%swap3A_413, %swap3A_414], %gather3A_412 {strides = array<i32>} : memref<16x384xf32, #tpu.memory_space<vmem>>, vector<16xf32>,
        %gather3A_416 = tpu.vector_load_idx %arg10[%add3A_331, %get3A_212] : memref<16x256xf32, #tpu.memory_space<vmem>>[vector<16xi32>, vector<16xi32>], vector<16xf32>,
        %swap3A_417 = arith.index_cast %scan3A_327 : i32 to index
        %swap3A_418 = arith.constant 336 : index
        %swap3A_419 = tpu.vector_load %arg11[%swap3A_417, %swap3A_418] {strides = array<i32>} : memref<16x384xf32, #tpu.memory_space<vmem>>, vector<16xf32>,
        tpu.vector_store %arg11[%swap3A_417, %swap3A_418], %gather3A_416 {strides = array<i32>} : memref<16x384xf32, #tpu.memory_space<vmem>>, vector<16xf32>,
        %gather3A_420 = tpu.vector_load_idx %arg10[%add3A_331, %get3A_214] : memref<16x256xf32, #tpu.memory_space<vmem>>[vector<16xi32>, vector<16xi32>], vector<16xf32>,
        %swap3A_421 = arith.index_cast %scan3A_327 : i32 to index
        %swap3A_422 = arith.constant 352 : index
        %swap3A_423 = tpu.vector_load %arg11[%swap3A_421, %swap3A_422] {strides = array<i32>} : memref<16x384xf32, #tpu.memory_space<vmem>>, vector<16xf32>,
        tpu.vector_store %arg11[%swap3A_421, %swap3A_422], %gather3A_420 {strides = array<i32>} : memref<16x384xf32, #tpu.memory_space<vmem>>, vector<16xf32>,
        %gather3A_424 = tpu.vector_load_idx %arg10[%add3A_331, %get3A_216] : memref<16x256xf32, #tpu.memory_space<vmem>>[vector<16xi32>, vector<16xi32>], vector<16xf32>,
        %swap3A_425 = arith.index_cast %scan3A_327 : i32 to index
        %swap3A_426 = arith.constant 368 : index
        %swap3A_427 = tpu.vector_load %arg11[%swap3A_425, %swap3A_426] {strides = array<i32>} : memref<16x384xf32, #tpu.memory_space<vmem>>, vector<16xf32>,
        tpu.vector_store %arg11[%swap3A_425, %swap3A_426], %gather3A_424 {strides = array<i32>} : memref<16x384xf32, #tpu.memory_space<vmem>>, vector<16xf32>,
      }
      %scan3A_222 = arith.constant 16 : i32
      %mul3A_223 = arith.constant 16 : i32
      %mul3A_224 = arith.muli %add3A, %mul3A_223 : i32
      "tpu.region"() ({
        %run_scoped3A = tpu.sem_alloc : memref<!tpu.dma_semaphore, #tpu.memory_space<semaphore_mem>>
        %dma_start3A_225 = arith.constant 0 : i32
        %dma_start3A_226 = tpu.memref_slice %arg5[%mul3A_224, %dma_start3A_225] : memref<384x384xf32, #tpu.memory_space<hbm>> -> memref<16x384xf32, #tpu.memory_space<hbm>>
        %dma_start3A_227 = arith.constant 0 : i32
        %dma_start3A_228 = tpu.memref_slice %arg5[%mul3A_224, %dma_start3A_227] : memref<384x384xf32, #tpu.memory_space<hbm>> -> memref<16x384xf32, #tpu.memory_space<hbm>>
        tpu.enqueue_dma source(%arg11 : memref<16x384xf32, #tpu.memory_space<vmem>>) target(%dma_start3A_228 : memref<16x384xf32, #tpu.memory_space<hbm>>) target_semaphore(%run_scoped3A : memref<!tpu.dma_semaphore, #tpu.memory_space<semaphore_mem>>)
        %dma_wait3A_229 = arith.constant 0 : i32
        %dma_wait3A_230 = tpu.memref_slice %arg5[%mul3A_224, %dma_wait3A_229] : memref<384x384xf32, #tpu.memory_space<hbm>> -> memref<16x384xf32, #tpu.memory_space<hbm>>
        %dma_wait3A_231 = arith.constant 0 : i32
        %dma_wait3A_232 = tpu.memref_slice %arg5[%mul3A_224, %dma_wait3A_231] : memref<384x384xf32, #tpu.memory_space<hbm>> -> memref<16x384xf32, #tpu.memory_space<hbm>>
        tpu.wait_dma2 semaphore(%run_scoped3A : memref<!tpu.dma_semaphore, #tpu.memory_space<semaphore_mem>>) src(%arg11 : memref<16x384xf32, #tpu.memory_space<vmem>>) dst(%dma_wait3A_232 : memref<16x384xf32, #tpu.memory_space<hbm>>)
        tpu.yield
      }) : () -> ()
    } else {
    }
    return
  }
}

</mosaic_0001>

<sc_bundles>
// kernel: _slice_project.3.cloned.1.call-start
scs
__scs_entry_jumppad:
0x0: {  	(pc) =	sbr.rel $0x88, $3  }
0x1: {  	(tag) =	ssettag $0x0;
	lr =	simm.s32 $0x1  }
0x2: {  	[smem:$0x3F9E] =	sst lr;
	_ =	strace $0xD0000000  }
0x3: {  	_ = 	snop  }
0x4: {  	_ = 	snop  }
0x5: {  	_ = 	snop  }
0x6: {  	_ = 	snop  }
0x7: {  	_ = 	snop  }
__scs_overlays_trampoline_lowered:
0x8: {  	[smem:$0x3FAD] =	sst s0  }
0x9: {  	[smem:$0x3FAE] =	sst s1  }
0xa: {  	[smem:$0x3FAF] =	sst s2  }
0xb: {  	[smem:$0x3FB0] =	sst s3  }
0xc: {  	[smem:$0x3FB1] =	sst s4  }
0xd: {  	[smem:$0x3FB2] =	sst s5  }
0xe: {  	[smem:$0x3FB3] =	sst s6  }
0xf: {  	[smem:$0x3FB4] =	sst s7  }
0x10: {  	[smem:$0x3FB5] =	sst s8  }
0x11: {  	[smem:$0x3FB6] =	sst s9;
	s0 =	simm.s32 @!p0 $0x0  }
0x12: {  	s1 =	sld [smem:$0x3F9C];
	s0 =	simm.s32 @p0 $0x1  }
0x13: {  	[smem:$0x3FB7] =	sst s0;
	s0 =	simm.s32 @!p1 $0x0  }
0x14: {  	s2 =	sld [smem:$0x3F9B];
	s0 =	simm.s32 @p1 $0x1  }
0x15: {  	[smem:$0x3FB8] =	sst s0;
	s0 =	simm.s32 @!p2 $0x0  }
0x16: {  	s3 =	sld [smem:$0x3FDB];
	s0 =	simm.s32 @p2 $0x1  }
0x17: {  	s4 =	simm.s32 $0x1BF5;
	[smem:$0x3FBA] =	sst s0  }
0x18: {  	s0 =	sld [smem:$0x3F9D];
	_ =	swait.ge [sflag:s4], $0x0  }
0x19: {  	s7 =	sld [smem:$0x3F9E]  }
0x1a: {  	s8 =	sadd.s32 $0xFFFFE003, lr  }
0x1b: {  	s9 =	sadd.s32 $0xFFFFFEF7, lr;
	s5 =	simm.s32 $0xFFFFFFFF;
	p2 =	slt.u32 s8, $0xFFFFF086  }
0x1c: {  	p1 =	slt.u32 s9, $0xF7A;
	s5 =	simm.s32 @!p2 $0x0  }
0x1d: {  	s5 =	simm.s32 @p1 $0x1;
	p0 =	seq.s32 s7, s2  }
0x1e: {  	s7 =	smul.u32 @!p0 $0xF7A, s2;
	p2 =	seq.s32 @!p0 s5, $0x0  }
0x1f: {  	s9 =	smul.u32 $0xF7A, s1;
	s8 =	simm.s32 @!p0 $0x1BF5;
	p2 =	por !p2, p0  }
0x20: {  	[sflag:s8] =	ssyncset.s32 @!p0 $0xFFFFF086;
	s6 =	sadd.s32 @!p0 s3, s7;
	s7 =	simm.s32 @!p0 $0x108  }
0x21: {  	s3 =	sadd.s32 s3, s9;
	s6 =	sadd.s32 @!p0 $0x88, s6;
	s7 =	simm.s32 @p2 $0x1082  }
0x22: {  	[simem:s7], [sflag:s8] =	dma.local @!p0 [hbm:s6], $0xF7A  }
0x23: {  	s9 =	sor.u32 $0xD0000000, s2;
	s6 =	simm.s32 $0x108;
	_ =	swait.ge @!p0 [sflag:s8], $0x0  }
0x24: {  	s3 =	sadd.s32 $0x88, s3;
	s6 =	simm.s32 @!p1 $0x1082;
	[sflag:s4] =	ssyncset.s32 $0xFFFFF086  }
0x25: {  	[simem:s6], [sflag:s4] =	dma.local [hbm:s3], $0xF7A  }
0x26: {  	[smem:$0x3F9E] =	sst s1;
	(tag) =	ssettag s2;
	_ =	strace s9  }
0x27: {  	s1 =	sld [smem:$0x3FAE]  }
0x28: {  	s2 =	sld [smem:$0x3FAF]  }
0x29: {  	s4 =	sld [smem:$0x3FB1]  }
0x2a: {  	p0 =	seq.s32 s5, $0x0;
	s5 =	sld [smem:$0x3FB2]  }
0x2b: {  	s6 =	sld [smem:$0x3FB3]  }
0x2c: {  	s7 =	sld [smem:$0x3FB4]  }
0x2d: {  	s3 =	simm.s32 $0x108;
	s8 =	sld [smem:$0x3FB5]  }
0x2e: {  	s3 =	simm.s32 @!p0 $0x1082;
	s9 =	sld [smem:$0x3FB6]  }
0x2f: {  	lr =	sadd.s32 s0, s3;
	s0 =	sld [smem:$0x3FAD]  }
0x30: {  	s3 =	sld [smem:$0x3FB0]  }
0x31: {  	[smem:$0x3FB9] =	sst s10  }
0x32: {  	s10 =	sld [smem:$0x3FB7];
	_ =	sdelay $0x3  }
0x33: {  	p0 =	seq.s32 s10, $0x1;
	s10 =	sld [smem:$0x3FB9];
	_ =	sdelay $0x3  }
0x34: {  	[smem:$0x3FB9] =	sst s10  }
0x35: {  	s10 =	sld [smem:$0x3FB8];
	_ =	sdelay $0x3  }
0x36: {  	p1 =	seq.s32 s10, $0x1;
	s10 =	sld [smem:$0x3FB9];
	_ =	sdelay $0x3  }
0x37: {  	[smem:$0x3FB9] =	sst s10  }
0x38: {  	s10 =	sld [smem:$0x3FBA]  }
0x39: {  	_ = 	snop;
	(pc) =	sbr.ind lr, $3  }
0x3a: {  	_ = 	snop  }
0x3b: {  	_ = 	snop  }
0x3c: {  	p2 =	seq.s32 s10, $0x1;
	s10 =	sld [smem:$0x3FB9]  }
0x3d: {  	_ =	shalt  }
0x3e: {  	_ =	shalt  }
0x3f: {  	_ =	shalt  }
0x40: {  	_ =	shalt  }
0x41: {  	_ =	shalt  }
0x42: {  	_ =	shalt  }
0x43: {  	_ =	shalt  }
0x44: {  	_ =	shalt  }
0x45: {  	_ =	shalt  }
0x46: {  	_ =	shalt  }
0x47: {  	_ =	shalt  }
0x48: {  	_ =	shalt  }
0x49: {  	_ =	shalt  }
0x4a: {  	_ =	shalt  }
0x4b: {  	_ =	shalt  }
0x4c: {  	_ =	shalt  }
0x4d: {  	_ =	shalt  }
0x4e: {  	_ =	shalt  }
0x4f: {  	_ =	shalt  }
0x50: {  	_ =	shalt  }
0x51: {  	_ =	shalt  }
0x52: {  	_ =	shalt  }
0x53: {  	_ =	shalt  }
0x54: {  	_ =	shalt  }
0x55: {  	_ =	shalt  }
0x56: {  	_ =	shalt  }
0x57: {  	_ =	shalt  }
0x58: {  	_ =	shalt  }
0x59: {  	_ =	shalt  }
0x5a: {  	_ =	shalt  }
0x5b: {  	_ =	shalt  }
0x5c: {  	_ =	shalt  }
0x5d: {  	_ =	shalt  }
0x5e: {  	_ =	shalt  }
0x5f: {  	_ =	shalt  }
0x60: {  	_ =	shalt  }
0x61: {  	_ =	shalt  }
0x62: {  	_ =	shalt  }
0x63: {  	_ =	shalt  }
0x64: {  	_ =	shalt  }
0x65: {  	_ =	shalt  }
0x66: {  	_ =	shalt  }
0x67: {  	_ =	shalt  }
0x68: {  	_ =	shalt  }
0x69: {  	_ =	shalt  }
0x6a: {  	_ =	shalt  }
0x6b: {  	_ =	shalt  }
0x6c: {  	_ =	shalt  }
0x6d: {  	_ =	shalt  }
0x6e: {  	_ =	shalt  }
0x6f: {  	_ =	shalt  }
0x70: {  	_ =	shalt  }
0x71: {  	_ =	shalt  }
0x72: {  	_ =	shalt  }
0x73: {  	_ =	shalt  }
0x74: {  	_ =	shalt  }
0x75: {  	_ =	shalt  }
0x76: {  	_ =	shalt  }
0x77: {  	_ =	shalt  }
0x78: {  	_ =	shalt  }
0x79: {  	_ =	shalt  }
0x7a: {  	_ =	shalt  }
0x7b: {  	_ =	shalt  }
0x7c: {  	_ =	shalt  }
0x7d: {  	_ =	shalt  }
0x7e: {  	_ =	shalt  }
0x7f: {  	_ =	shalt  }
0x80: {  	_ =	shalt  }
0x81: {  	_ =	shalt  }
0x82: {  	_ =	shalt  }
0x83: {  	_ =	shalt  }
0x84: {  	_ =	shalt  }
0x85: {  	_ =	shalt  }
0x86: {  	_ =	shalt  }
0x87: {  	_ =	shalt  }
.Lfunc_end0:
.L_simem_size_0:
called_computation_lowered:
.L_overlay_start_0:
0x88: {  	s2 =	sld [smem:$0x3FD9]  }
0x89: {  	s3 =	sld [smem:$0x3FFE];
	_ =	sdelay $0x1  }
0x8a: {  	s1 =	srdreg.scid  }
0x8b: {  	s0 =	sand.u32 $0x1, s1  }
0x8c: {  	s18 =	sshll.u32 s0, $0xA;
	s2 =	sadd.s32 s3, s2  }
0x8d: {  	s2 =	sadd.s32 s2, s18  }
0x8e: {  	[smem:$0x3FC5] =	sst s2  }
0x8f: {  	_ = 	snop  }
0x90: {  	s2 =	sld [smem:$0x3FC9]  }
0x91: {  	s19 =	sld [smem:$0x3FC8]  }
0x92: {  	s4 =	sld [smem:$0x3FC7]  }
0x93: {  	s5 =	sld [smem:$0x3FD0];
	(tm) =	ssettm $0x1  }
0x94: {  	s6 =	sld [smem:$0x3FFB];
	_ =	sdelay $0x3  }
0x95: {  	_ =	strace s6  }
0x96: {  	s6 =	sld [smem:$0x3FFC];
	_ =	sdelay $0x3  }
0x97: {  	_ =	strace s6  }
0x98: {  	s6 =	sld [smem:$0x3FFD];
	_ =	sdelay $0x3  }
0x99: {  	_ =	strace s6  }
0x9a: {  	_ =	strace $0x8FFFFFFF  }
0x9b: {  	s20 =	sld [smem:$0x3FDB];
	_ =	sdelay $0x1  }
0x9c: {  	s7 =	simm.s32 $_scs_section_size  }
0x9d: {  	s8 =	simm.s32 $_size__tile_overlayer_lowered;
	s9 =	simm.s32 $_tile_overlayer_lowered  }
0x9e: {  	s23 =	simm.s32 $0x1BFF;
	s22 =	sshll.u32 s9, $0x1;
	s6 =	sadd.s32 s7, s20  }
0x9f: {  	s10 =	simm.s32 $0x0;
	s21 =	sshll.u32 s8, $0x1;
	s8 =	sadd.s32 s22, s6  }
0xa0: {  	[timem:s10], [sflag:s23] =	dma.local [hbm:s8], s21  }
0xa1: {  	_ =	swait.ge [sflag:s23], s21  }
0xa2: {  	s7 =	ssub.s32 $0x0, s21;
	[sflag:s23] =	ssyncset.done $0x0  }
0xa3: {  	[sflag:s23] =	ssyncadd.s32 s7;
	_ =	sdelay $0x1  }
0xa4: {  	s24 =	simm.s32 $0x1B8B  }
0xa5: {  	_ =	swait.ge [sflag:s24], $0x1  }
0xa6: {  	[sflag:s24] =	ssyncset.done $0x0  }
0xa7: {  	s25 =	simm.s32 $0x1B8E;
	[sflag:s24] =	ssyncadd.s32 $0xFFFFFFFF  }
0xa8: {  	s26 =	simm.s32 $execute0_lowered;
	[smem:$0x3FD2] =	sst s25  }
0xa9: {  	s7 =	sshll.u32 s26, $0x1;
	_ =	strace $0x80000046;
	[dreg:$0x1] =	wrdreg $0xFFFFFFFF  }
0xaa: {  	s28 =	simm.s32 $_size_execute0_lowered;
	s6 =	sadd.s32 s6, s7;
	[dreg:$0x0] =	wrdreg $0x0  }
0xab: {  	s7 =	sshll.u32 s28, $0x1;
	[dreg:$0x2] =	wrdreg s6  }
0xac: {  	[dreg:$0x3] =	wrdreg s7  }
0xad: {  	[dreg:$0x4] =	wrdreg $0xC0  }
0xae: {  	_ =	task [dreg:s10], $0x5FFFF  }
0xaf: {  	[dreg:$0x1] =	wrdreg $0xFFFFFFFF  }
0xb0: {  	[dreg:$0x0] =	wrdreg $0x60  }
0xb1: {  	[dreg:$0x2] =	wrdreg s2  }
0xb2: {  	[dreg:$0x3] =	wrdreg s19  }
0xb3: {  	[dreg:$0x4] =	wrdreg s4  }
0xb4: {  	[dreg:$0x5] =	wrdreg s5  }
0xb5: {  	[dreg:$0x6] =	wrdreg $0x9  }
0xb6: {  	_ =	task.clear_ibuf [dreg:s10], $0x7FFFF;
	_ =	strace $0x90000046  }
0xb7: {  	s29 =	simm.s32 $0x9;
	_ =	strace $0x80000048  }
0xb8: {  	_ =	swait.ge [sflag:s29], $0x1  }
0xb9: {  	[sflag:s29] =	ssyncadd.s32 $0xFFFFFFFF  }
0xba: {  	_ =	strace $0x90000048  }
0xbb: {  	_ =	sfence  }
0xbc: {  	s30 =	sld [smem:$0x0];
	_ =	sdelay $0x2  }
0xbd: {  	s31 =	sshll.u32 s1, $0xD;
	s1 =	sshrl.u32 s1, $0x2  }
0xbe: {  	s3 =	sand.u32 $0x4000, s31;
	s1 =	sadd.s32 s1, s30  }
0xbf: {  	s0 =	sor.u32 s3, s0;
	s1 =	sshll.u32 s1, $0x11  }
0xc0: {  	s0 =	sor.u32 s1, s0  }
0xc1: {  	s0 =	sadd.s32 $0x8F2B, s0  }
0xc2: {  	[sflag:s0] =	ssyncadd.remote.s32 $0x1  }
0xc3: {  	_ =	sfence.sel $0xFFFF  }
0xc4: {  	[dreg:$0x0] =	wrdreg $0xFFFFFFFF;
	(pc) =	sbr.abs _section_cstart, $3  }
0xc5: {  	[dreg:$0x1] =	wrdreg $0xFFFFFFFF  }
0xc6: {  	_ =	task.clear_ibuf [dreg:s10], $0x2FFFF;
	_ =	strace $0x9FFFFFFF  }
0xc7: {  	(tm) =	ssettm $0x7FFFFFFF  }
tec
execute0_lowered:
.L_overlay_start_1:
0x0: {  	(tag) =	ssettag $0x1  }
0x1: {  	s3 =	srdreg.scid;
	s0 =	stileid.u32  }
0x2: {  	s7 =	sand.u32 $0x1, s3;
	s8 =	sshll.u32 s0, $0x1  }
0x3: {  	s8 =	sor.u32 s7, s8  }
0x4: {  	s1 =	rddreg [dreg:$0x0];
	p0 =	sgt.u32 s8, $0x16  }
.Ltmp0:
0x5: {  	s2 =	rddreg [dreg:$0x1];
	(pc) =	sbr.rel @p0 .LBB2_7-.Ltmp0, $4  }
0x6: {  	s4 =	rddreg [dreg:$0x2]  }
0x7: {  	s6 =	rddreg [dreg:$0x3];
	s5 =	simm.s32 $0x0  }
0x8: {  	[smem:$0x7FF] =	sst s5  }
0x9: {  	s3 =	rddreg [dreg:$0x4];
	_ =	strace $0x80000047  }
0xa: {  	s9 =	sshll.u32 s8, $0x4;
	v0 =	vlaneseq.u32  }
0xb: {  	v1 =	vor.u32 s9, v0  }
0xc: {  	v1 =	vcvt.s32.f32 v1;
	_ =	sdelay $0x1  }
0xd: {  	v1 =	vmul.f32 $5.540166050e-03, v1;
	_ =	sdelay $0x1  }
0xe: {  	v1 =	vadd.f32 $-1.000000000e+00, v1  }
0xf: {  	vm0 =	vmmov $0xffff;
	v3 =	vimm.s32 $0x81  }
0x10: {  	s30 =	smul.u32 $0x300, s8;
	s7 =	ssub.s32 $0x2, s7;
	v4 =	vimm.s32 $0x102;
	v5 =	vimm.s32 $0x8;
	v2 =	vshrl.u32 v1, $0x10  }
0x11: {  	s8 =	simm.s32 $0x2;
	v6 =	vimm.s32 $0x9;
	s10 =	simm.s32 $0x200;
	v7 =	vimm.s32 $0xA;
	s11 =	simm.s32 $0x480;
	v2 =	vand.u32 $0x1, v2  }
0x12: {  	v8 =	vimm.s32 $0x0;
	s12 =	simm.s32 $0xC80;
	s13 =	simm.s32 $0x1;
	s31 =	sshrl.u32 s7, $0x1;
	v10 =	vshrl.u32 v0, $0x3;
	v1 =	vadd.s32 v2, v1  }
0x13: {  	s14 =	simm.s32 $0x1480;
	s15 =	simm.s32 $0x0;
	v9 =	vand.u32 $0x7, v0;
	v11 =	vor.u32 $0x8, v0;
	s7 =	ssub.s32 s7, s31;
	v1 =	vadd.s32 $0x7FFF, v1  }
0x14: {  	s9 =	simm.s32 $0x208;
	s6 =	sadd.s32 s6, s30;
	v10 =	vmul.u32 $0x8, v10;
	s7 =	smax.u32 s7, $0x1;
	v2 =	vimm.s32 $0x1;
	v1 =	vand.u32 $0xFFFF0000, v1  }
.LBB2_2:
0x15: {  	s16 =	simm.s32 $0x0  }
0x16: {  	[tilespmem:s16], [sflag:$0x2] =	stream.linear.gather [hbm4b:s2+s16], $0x180, $0x38;
	[tilespmem:$0x2C80] =	vst v63  }
0x17: {  	_ =	swait.ge [sflag:s8], $0x180  }
0x18: {  	[sflag:s8] =	ssyncset.done $0x0  }
0x19: {  	[sflag:s8] =	ssyncadd.s32 $0xFFFFFE80  }
0x1a: {  	[tilespmem:s9], [sflag:$0x2] =	stream.linear.gather [hbm4b:s4+s16], $0x3, $0x38;
	[tilespmem:$0x2C80] =	vst v63  }
0x1b: {  	_ =	swait.ge [sflag:s8], $0x3  }
0x1c: {  	[sflag:s8] =	ssyncset.done $0x0  }
0x1d: {  	[sflag:s8] =	ssyncadd.s32 $0xFFFFFFFD  }
0x1e: {  	v12 =	vld.idx.msk [tilespmem:v2+s16+$0x0], $0xffff;
	_ =	sdelay $0x4  }
0x1f: {  	v14 =	vld.idx.msk [tilespmem:v3+s16+$0x0], $0xffff;
	v13 =	vshrl.u32 v12, $0x10  }
0x20: {  	v13 =	vand.u32 $0x1, v13  }
0x21: {  	v12 =	vadd.s32 v13, v12;
	v13 =	vld.idx.msk [tilespmem:v5+s10+$0x0], $0xffff  }
0x22: {  	v12 =	vadd.s32 $0x7FFF, v12  }
0x23: {  	v12 =	vand.u32 $0xFFFF0000, v12  }
0x24: {  	v15 =	vshrl.u32 v14, $0x10;
	v12 =	vmul.f32 v12, v1  }
0x25: {  	v15 =	vand.u32 $0x1, v15  }
0x26: {  	v12 =	vadd.f32 v12, v13;
	v13 =	vadd.s32 v15, v14;
	v14 =	vld.idx.msk [tilespmem:v6+s10+$0x0], $0xffff  }
0x27: {  	v13 =	vadd.s32 $0x7FFF, v13  }
0x28: {  	v12 =	vadd.f32 $1.000000000e+00, v12;
	v13 =	vand.u32 $0xFFFF0000, v13  }
0x29: {  	s18 =	simm.s32 $0x10;
	v13 =	vmul.f32 v13, v1  }
0x2a: {  	v18 =	vor.u32 s18, v0;
	v12 =	vmul.f32 $2.550000000e+02, v12  }
0x2b: {  	v18 =	vcvt.s32.f32 v18;
	v13 =	vadd.f32 v13, v14  }
0x2c: {  	s19 =	simm.s32 $0x20;
	v12 =	vmul.f32 $5.000000000e-01, v12  }
0x2d: {  	s31 =	simm.s32 $0x60;
	v19 =	vor.u32 s19, v0;
	v18 =	vmul.f32 $5.540166050e-03, v18;
	v13 =	vadd.f32 $1.000000000e+00, v13  }
0x2e: {  	v27 =	vor.u32 s31, v0;
	v19 =	vcvt.s32.f32 v19;
	v14 =	vld.idx.msk [tilespmem:v4+s16+$0x0], $0xffff;
	v12 =	vmax.f32 v12, $0.0e+00  }
0x2f: {  	v18 =	vadd.f32 $-1.000000000e+00, v18;
	v12 =	vmin.f32 v12, $2.550000000e+02;
	v13 =	vmul.f32 $2.550000000e+02, v13  }
0x30: {  	v27 =	vcvt.s32.f32 v27;
	v12 =	vadd.f32 $5.000000000e-01, v12  }
0x31: {  	v19 =	vmul.f32 $5.540166050e-03, v19;
	v21 =	vshrl.u32 v18, $0x10;
	v13 =	vmul.f32 $5.000000000e-01, v13  }
0x32: {  	v54 =	vmul.f32 $5.540166050e-03, v27;
	v21 =	vand.u32 $0x1, v21;
	v15 =	vtrunc.f32 v12  }
0x33: {  	v16 =	vshrl.u32 v14, $0x10;
	v17 =	vcvt.f32.s32 v15;
	v13 =	vmax.f32 v13, $0.0e+00  }
0x34: {  	v18 =	vadd.s32 v21, v18;
	v16 =	vand.u32 $0x1, v16;
	v13 =	vmin.f32 v13, $2.550000000e+02  }
0x35: {  	v14 =	vadd.s32 v16, v14;
	v16 =	vand.u32 $0x1, v17;
	v13 =	vadd.f32 $5.000000000e-01, v13  }
0x36: {  	v18 =	vadd.s32 $0x7FFF, v18;
	vm1 =	veq.f32 v12, v15;
	vm2 =	veq.s32 v16, $0x1  }
0x37: {  	v18 =	vand.u32 $0xFFFF0000, v18;
	vm1 =	vmand vm1, vm2;
	v15 =	vtrunc.f32 v13  }
0x38: {  	s17 =	simm.s32 $0x30;
	v12 =	vadd.s32 $0x7FFF, v14;
	v14 =	vsel vm1, $0xFFFFFFFF, v8;
	v16 =	vcvt.f32.s32 v15  }
0x39: {  	vm1 =	veq.f32 v13, v15;
	v13 =	vor.u32 s16, v0;
	v15 =	vor.u32 s17, v0  }
0x3a: {  	v12 =	vand.u32 $0xFFFF0000, v12;
	v13 =	vcvt.s32.f32 v13;
	v15 =	vcvt.s32.f32 v15  }
0x3b: {  	v14 =	vadd.s32 v17, v14;
	v17 =	vadd.f32 $-1.000000000e+00, v19;
	v20 =	vand.u32 $0x1, v16  }
0x3c: {  	v13 =	vmul.f32 $5.540166050e-03, v13;
	vm2 =	veq.s32 v20, $0x1;
	v15 =	vmul.f32 $5.540166050e-03, v15  }
0x3d: {  	v18 =	vmul.f32 v18, v12;
	v22 =	vshrl.u32 v17, $0x10;
	vm1 =	vmand vm1, vm2  }
0x3e: {  	v22 =	vand.u32 $0x1, v22;
	v20 =	vadd.f32 $-1.000000000e+00, v13;
	v15 =	vadd.f32 $-1.000000000e+00, v15  }
0x3f: {  	v14 =	vshll.u32 v14, $0x8;
	v13 =	vsel vm1, $0xFFFFFFFF, v8;
	v17 =	vadd.s32 v22, v17  }
0x40: {  	v16 =	vadd.s32 v16, v13;
	v19 =	vshrl.u32 v20, $0x10;
	v13 =	vshrl.u32 v15, $0x10  }
0x41: {  	v17 =	vadd.s32 $0x7FFF, v17;
	v23 =	vand.u32 $0x1, v13;
	v13 =	vld.idx.msk [tilespmem:v7+s10+$0x0], $0xffff;
	v19 =	vand.u32 $0x1, v19  }
0x42: {  	v17 =	vand.u32 $0xFFFF0000, v17;
	v15 =	vadd.s32 v23, v15;
	v19 =	vadd.s32 v19, v20  }
0x43: {  	v14 =	vadd.s32 v16, v14;
	v15 =	vadd.s32 $0x7FFF, v15;
	v19 =	vadd.s32 $0x7FFF, v19  }
0x44: {  	v17 =	vmul.f32 v17, v12;
	v15 =	vand.u32 $0xFFFF0000, v15;
	v19 =	vand.u32 $0xFFFF0000, v19  }
0x45: {  	v16 =	vand.u32 $0x7, v16;
	v15 =	vmul.f32 v15, v12;
	v19 =	vmul.f32 v19, v12  }
0x46: {  	v20 =	vshll.u32 v14, $0x1;
	v18 =	vadd.f32 v18, v13;
	v17 =	vadd.f32 v17, v13  }
0x47: {  	v20 =	vand.u32 $0xFFFFFFF0, v20;
	v15 =	vadd.f32 v15, v13;
	v19 =	vadd.f32 v19, v13  }
0x48: {  	v16 =	vor.u32 v16, v20;
	v18 =	vadd.f32 $1.000000000e+00, v18;
	v17 =	vadd.f32 $1.000000000e+00, v17  }
0x49: {  	v20 =	vperm.xlane v16, v9;
	v15 =	vadd.f32 $1.000000000e+00, v15;
	v19 =	vadd.f32 $1.000000000e+00, v19  }
0x4a: {  	v18 =	vmul.f32 $2.550000000e+02, v18;
	v17 =	vmul.f32 $2.550000000e+02, v17  }
0x4b: {  	v15 =	vmul.f32 $2.550000000e+02, v15;
	v19 =	vmul.f32 $2.550000000e+02, v19  }
0x4c: {  	v18 =	vmul.f32 $5.000000000e-01, v18;
	v17 =	vmul.f32 $5.000000000e-01, v17  }
0x4d: {  	v15 =	vmul.f32 $5.000000000e-01, v15;
	v19 =	vmul.f32 $5.000000000e-01, v19  }
0x4e: {  	v16 =	vperm.xlane v16, v11;
	v18 =	vmax.f32 v18, $0.0e+00;
	v17 =	vmax.f32 v17, $0.0e+00  }
0x4f: {  	v15 =	vmax.f32 v15, $0.0e+00;
	v19 =	vmax.f32 v19, $0.0e+00;
	v18 =	vmin.f32 v18, $2.550000000e+02  }
0x50: {  	v17 =	vmin.f32 v17, $2.550000000e+02;
	v15 =	vmin.f32 v15, $2.550000000e+02;
	v18 =	vadd.f32 $5.000000000e-01, v18  }
0x51: {  	v19 =	vmin.f32 v19, $2.550000000e+02;
	v17 =	vadd.f32 $5.000000000e-01, v17;
	v15 =	vadd.f32 $5.000000000e-01, v15  }
0x52: {  	v20 =	vadd.s32 v10, v20;
	v19 =	vadd.f32 $5.000000000e-01, v19;
	v23 =	vtrunc.f32 v18  }
0x53: {  	v16 =	vadd.s32 v10, v16;
	v24 =	vtrunc.f32 v17;
	v21 =	vtrunc.f32 v15  }
0x54: {  	s28 =	simm.s32 $0x70;
	v26 =	vtrunc.f32 v19;
	v53 =	vcvt.f32.s32 v24;
	vm1 =	veq.f32 v18, v23  }
0x55: {  	s29 =	simm.s32 $0x40;
	v18 =	vor.u32 s28, v0;
	v22 =	vcvt.f32.s32 v21;
	vm2 =	veq.f32 v15, v21  }
0x56: {  	s30 =	simm.s32 $0x50;
	v15 =	vcvt.f32.s32 v23;
	v21 =	vor.u32 s29, v0;
	v18 =	vcvt.s32.f32 v18  }
0x57: {  	v23 =	vor.u32 s30, v0;
	v55 =	vcvt.f32.s32 v26;
	v21 =	vcvt.s32.f32 v21  }
0x58: {  	v23 =	vcvt.s32.f32 v23;
	v59 =	vand.u32 $0x1, v53;
	v25 =	vand.u32 $0x1, v22  }
0x59: {  	v18 =	vmul.f32 $5.540166050e-03, v18;
	v60 =	vand.u32 $0x1, v55;
	vm3 =	veq.s32 v25, $0x1  }
0x5a: {  	v23 =	vmul.f32 $5.540166050e-03, v23;
	v21 =	vmul.f32 $5.540166050e-03, v21;
	vm3 =	vmand vm2, vm3  }
0x5b: {  	vm2 =	veq.f32 v17, v24;
	v18 =	vadd.f32 $-1.000000000e+00, v18;
	v17 =	vsel vm3, $0xFFFFFFFF, v8  }
0x5c: {  	v21 =	vadd.f32 $-1.000000000e+00, v21;
	v22 =	vadd.s32 v22, v17;
	v17 =	vadd.f32 $-1.000000000e+00, v23  }
0x5d: {  	vm3 =	veq.f32 v19, v26;
	v23 =	vadd.f32 $-1.000000000e+00, v54;
	v56 =	vshrl.u32 v18, $0x10  }
0x5e: {  	v24 =	vand.u32 $0x1, v56;
	v57 =	vshrl.u32 v21, $0x10;
	v19 =	vshrl.u32 v17, $0x10  }
0x5f: {  	v18 =	vadd.s32 v24, v18;
	v58 =	vshrl.u32 v23, $0x10;
	v26 =	vand.u32 $0x1, v57  }
0x60: {  	v19 =	vand.u32 $0x1, v19;
	v24 =	vand.u32 $0x1, v58;
	v21 =	vadd.s32 v26, v21  }
0x61: {  	v18 =	vadd.s32 $0x7FFF, v18;
	v17 =	vadd.s32 v19, v17;
	v19 =	vand.u32 $0x1, v15  }
0x62: {  	v23 =	vadd.s32 v24, v23;
	v18 =	vand.u32 $0xFFFF0000, v18;
	v21 =	vadd.s32 $0x7FFF, v21  }
0x63: {  	vm4 =	veq.s32 v19, $0x1;
	v17 =	vadd.s32 $0x7FFF, v17;
	v18 =	vmul.f32 v18, v12  }
0x64: {  	v19 =	vadd.s32 $0x7FFF, v23;
	v21 =	vand.u32 $0xFFFF0000, v21;
	v17 =	vand.u32 $0xFFFF0000, v17  }
0x65: {  	v19 =	vand.u32 $0xFFFF0000, v19;
	v21 =	vmul.f32 v21, v12;
	v18 =	vadd.f32 v18, v13  }
0x66: {  	vm5 =	veq.s32 v59, $0x1;
	v17 =	vmul.f32 v17, v12;
	v19 =	vmul.f32 v19, v12  }
0x67: {  	vm6 =	veq.s32 v60, $0x1;
	v21 =	vadd.f32 v21, v13;
	v18 =	vadd.f32 $1.000000000e+00, v18  }
0x68: {  	vm2 =	vmand vm2, vm5;
	v17 =	vadd.f32 v17, v13;
	v19 =	vadd.f32 v19, v13  }
0x69: {  	vm3 =	vmand vm3, vm6;
	v21 =	vadd.f32 $1.000000000e+00, v21;
	v18 =	vmul.f32 $2.550000000e+02, v18  }
0x6a: {  	v61 =	vsel vm2, $0xFFFFFFFF, v8;
	v17 =	vadd.f32 $1.000000000e+00, v17;
	v19 =	vadd.f32 $1.000000000e+00, v19  }
0x6b: {  	v62 =	vsel vm3, $0xFFFFFFFF, v8;
	v21 =	vmul.f32 $2.550000000e+02, v21;
	v18 =	vmul.f32 $5.000000000e-01, v18  }
0x6c: {  	vm1 =	vmand vm1, vm4;
	v17 =	vmul.f32 $2.550000000e+02, v17;
	v19 =	vmul.f32 $2.550000000e+02, v19  }
0x6d: {  	v23 =	vsel vm1, $0xFFFFFFFF, v8;
	v21 =	vmul.f32 $5.000000000e-01, v21;
	v18 =	vmax.f32 v18, $0.0e+00  }
0x6e: {  	v17 =	vmul.f32 $5.000000000e-01, v17;
	v19 =	vmul.f32 $5.000000000e-01, v19;
	v18 =	vmin.f32 v18, $2.550000000e+02  }
0x6f: {  	[tilespmem:$0x280] =	vst v14;
	v63 =	vadd.s32 v55, v62;
	v14 =	vadd.s32 v15, v23;
	v23 =	vadd.f32 $5.000000000e-01, v18  }
0x70: {  	[tilespmem:s11], [sflag:$0x1] =	stream.indirect_vreg.gather [hbm4b:s1+s16], $0x80, v20, vm0, $0xb8;
	v15 =	vmax.f32 v17, $0.0e+00;
	v17 =	vmax.f32 v21, $0.0e+00;
	v18 =	vmax.f32 v19, $0.0e+00;
	[tilespmem:$0x2C80] =	vst v63  }
0x71: {  	v15 =	vmin.f32 v15, $2.550000000e+02;
	v19 =	vmin.f32 v17, $2.550000000e+02;
	v28 =	vtrunc.f32 v23  }
0x72: {  	[tilespmem:s12], [sflag:$0x1] =	stream.indirect_vreg.gather [hbm4b:s1+s16], $0x80, v16, vm0, $0xb8;
	v17 =	vmin.f32 v18, $2.550000000e+02;
	v29 =	vadd.f32 $5.000000000e-01, v15;
	v21 =	vcvt.f32.s32 v28;
	[tilespmem:$0x2C80] =	vst v63  }
0x73: {  	s16 =	simm.s32 $0x320;
	v17 =	vadd.f32 $5.000000000e-01, v17;
	v15 =	vadd.s32 v53, v61;
	v18 =	vadd.f32 $5.000000000e-01, v19  }
0x74: {  	[tilespmem:s16+$0x10] =	vst v22;
	vm1 =	veq.f32 v23, v28;
	v22 =	vtrunc.f32 v29;
	v16 =	vand.u32 $0x1, v21  }
0x75: {  	[tilespmem:s16+$0xFFFFFFE0] =	vst v63;
	v20 =	vtrunc.f32 v17;
	v19 =	vtrunc.f32 v18;
	vm2 =	veq.s32 v16, $0x1  }
0x76: {  	[tilespmem:s16+$0x0] =	vst v15;
	v15 =	vcvt.f32.s32 v20;
	v16 =	vcvt.f32.s32 v22;
	vm2 =	vmand vm1, vm2  }
0x77: {  	s18 =	simm.s32 $0x80;
	s17 =	simm.s32 $0x4;
	[tilespmem:s16+$0xFFFFFFF0] =	vst v14;
	v14 =	vcvt.f32.s32 v19;
	vm1 =	veq.f32 v29, v22;
	v22 =	vsel vm2, $0xFFFFFFFF, v8  }
.LBB2_3:
0x78: {  	v23 =	vor.u32 s18, v0;
	s19 =	sadd.s32 $0x30, s18;
	s17 =	sadd.s32 $0x4, s17;
	v24 =	vand.u32 $0x1, v16;
	v21 =	vadd.s32 v21, v22;
	s16 =	sadd.s32 $0x40, s16  }
0x79: {  	s20 =	sadd.s32 $0x10, s18;
	s21 =	sadd.s32 $0x20, s18;
	v25 =	vand.u32 $0x1, v15;
	v22 =	vcvt.s32.f32 v23;
	v23 =	vor.u32 s19, v0;
	p0 =	slt.u32 s17, $0x14;
	[tilespmem:s16+$0x10] =	vst v21  }
0x7a: {  	v21 =	vor.u32 s20, v0;
	v26 =	vor.u32 s21, v0;
	v23 =	vcvt.s32.f32 v23  }
0x7b: {  	v27 =	vand.u32 $0x1, v14;
	v21 =	vcvt.s32.f32 v21;
	v26 =	vcvt.s32.f32 v26  }
0x7c: {  	vm3 =	veq.s32 v24, $0x1;
	v22 =	vmul.f32 $5.540166050e-03, v22;
	v23 =	vmul.f32 $5.540166050e-03, v23  }
0x7d: {  	vm4 =	veq.s32 v25, $0x1;
	v21 =	vmul.f32 $5.540166050e-03, v21;
	v24 =	vmul.f32 $5.540166050e-03, v26  }
0x7e: {  	vm2 =	veq.s32 v27, $0x1;
	v22 =	vadd.f32 $-1.000000000e+00, v22;
	v23 =	vadd.f32 $-1.000000000e+00, v23  }
0x7f: {  	vm6 =	veq.f32 v17, v20;
	v21 =	vadd.f32 $-1.000000000e+00, v21;
	v24 =	vadd.f32 $-1.000000000e+00, v24  }
0x80: {  	vm5 =	veq.f32 v18, v19;
	v17 =	vshrl.u32 v22, $0x10;
	v20 =	vshrl.u32 v23, $0x10  }
0x81: {  	v18 =	vshrl.u32 v21, $0x10;
	v19 =	vshrl.u32 v24, $0x10;
	v20 =	vand.u32 $0x1, v20  }
0x82: {  	v18 =	vand.u32 $0x1, v18;
	v19 =	vand.u32 $0x1, v19;
	v20 =	vadd.s32 v20, v23  }
0x83: {  	v17 =	vand.u32 $0x1, v17;
	v18 =	vadd.s32 v18, v21;
	v20 =	vadd.s32 $0x7FFF, v20  }
0x84: {  	v17 =	vadd.s32 v17, v22;
	v19 =	vadd.s32 v19, v24;
	v20 =	vand.u32 $0xFFFF0000, v20  }
0x85: {  	v18 =	vadd.s32 $0x7FFF, v18;
	v19 =	vadd.s32 $0x7FFF, v19;
	v20 =	vmul.f32 v20, v12  }
0x86: {  	v17 =	vadd.s32 $0x7FFF, v17;
	v18 =	vand.u32 $0xFFFF0000, v18;
	v19 =	vand.u32 $0xFFFF0000, v19  }
0x87: {  	v17 =	vand.u32 $0xFFFF0000, v17;
	v18 =	vmul.f32 v18, v12;
	v20 =	vadd.f32 v20, v13  }
0x88: {  	vm1 =	vmand vm1, vm3;
	v17 =	vmul.f32 v17, v12;
	v19 =	vmul.f32 v19, v12  }
0x89: {  	vm3 =	vmand vm6, vm4;
	v18 =	vadd.f32 v18, v13;
	v20 =	vadd.f32 $1.000000000e+00, v20  }
0x8a: {  	vm2 =	vmand vm5, vm2;
	v17 =	vadd.f32 v17, v13;
	v19 =	vadd.f32 v19, v13  }
0x8b: {  	v21 =	vsel vm1, $0xFFFFFFFF, v8;
	v18 =	vadd.f32 $1.000000000e+00, v18;
	v20 =	vmul.f32 $2.550000000e+02, v20  }
0x8c: {  	v22 =	vsel vm3, $0xFFFFFFFF, v8;
	v17 =	vadd.f32 $1.000000000e+00, v17;
	v19 =	vadd.f32 $1.000000000e+00, v19  }
0x8d: {  	v23 =	vsel vm2, $0xFFFFFFFF, v8;
	v18 =	vmul.f32 $2.550000000e+02, v18;
	v20 =	vmul.f32 $5.000000000e-01, v20  }
0x8e: {  	v16 =	vadd.s32 v16, v21;
	v17 =	vmul.f32 $2.550000000e+02, v17;
	v19 =	vmul.f32 $2.550000000e+02, v19  }
0x8f: {  	v15 =	vadd.s32 v15, v22;
	v18 =	vmul.f32 $5.000000000e-01, v18;
	v20 =	vmax.f32 v20, $0.0e+00;
	[tilespmem:s16+$0xFFFFFFF0] =	vst v16  }
0x90: {  	v16 =	vmul.f32 $5.000000000e-01, v17;
	v17 =	vmul.f32 $5.000000000e-01, v19;
	v19 =	vmin.f32 v20, $2.550000000e+02;
	[tilespmem:s16+$0x0] =	vst v15  }
0x91: {  	v14 =	vadd.s32 v14, v23;
	v15 =	vmax.f32 v18, $0.0e+00;
	v22 =	vadd.f32 $5.000000000e-01, v19  }
0x92: {  	v16 =	vmax.f32 v16, $0.0e+00;
	v15 =	vmin.f32 v15, $2.550000000e+02;
	v17 =	vmax.f32 v17, $0.0e+00;
	[tilespmem:s16+$0xFFFFFFE0] =	vst v14  }
0x93: {  	v14 =	vmin.f32 v16, $2.550000000e+02;
	v16 =	vmin.f32 v17, $2.550000000e+02;
	v23 =	vtrunc.f32 v22  }
0x94: {  	v24 =	vadd.f32 $5.000000000e-01, v15;
	v17 =	vadd.f32 $5.000000000e-01, v16;
	v21 =	vcvt.f32.s32 v23  }
.Ltmp1:
0x95: {  	v18 =	vadd.f32 $5.000000000e-01, v14;
	(pc) =	sbr.rel @p0 .LBB2_3-.Ltmp1, $4  }
0x96: {  	v25 =	vtrunc.f32 v24;
	v20 =	vtrunc.f32 v17;
	v14 =	vand.u32 $0x1, v21  }
0x97: {  	vm1 =	veq.f32 v22, v23;
	v19 =	vtrunc.f32 v18;
	vm2 =	veq.s32 v14, $0x1  }
0x98: {  	v16 =	vcvt.f32.s32 v25;
	v15 =	vcvt.f32.s32 v20;
	vm2 =	vmand vm1, vm2  }
0x99: {  	s18 =	sadd.s32 $0x40, s18;
	v14 =	vcvt.f32.s32 v19;
	vm1 =	veq.f32 v24, v25;
	v22 =	vsel vm2, $0xFFFFFFFF, v8  }
0x9a: {  	v12 =	vand.u32 $0x1, v16;
	v13 =	vadd.s32 v21, v22;
	v21 =	vand.u32 $0x1, v15  }
0x9b: {  	vm5 =	veq.f32 v17, v20;
	v22 =	vand.u32 $0x1, v14;
	vm2 =	veq.s32 v12, $0x1  }
0x9c: {  	vm3 =	veq.s32 v21, $0x1;
	vm4 =	veq.s32 v22, $0x1;
	vm1 =	vmand vm1, vm2  }
0x9d: {  	s16 =	sadd.s32 $0x40, s16;
	vm2 =	veq.f32 v18, v19;
	vm3 =	vmand vm5, vm3;
	v12 =	vsel vm1, $0xFFFFFFFF, v8  }
0x9e: {  	[tilespmem:s16+$0x10] =	vst v13;
	vm1 =	vmand vm2, vm4;
	v13 =	vsel vm3, $0xFFFFFFFF, v8;
	v12 =	vadd.s32 v16, v12  }
0x9f: {  	v16 =	vsel vm1, $0xFFFFFFFF, v8;
	[tilespmem:s16+$0xFFFFFFF0] =	vst v12;
	v12 =	vadd.s32 v15, v13  }
0xa0: {  	[tilespmem:s16+$0x0] =	vst v12;
	v12 =	vadd.s32 v14, v16  }
0xa1: {  	[tilespmem:s16+$0xFFFFFFE0] =	vst v12  }
0xa2: {  	_ =	swait.ge [sflag:s13], $0x1000  }
0xa3: {  	[sflag:s13] =	ssyncset.done $0x0  }
0xa4: {  	[sflag:s13] =	ssyncadd.s32 $0xFFFFF000  }
0xa5: {  	v13 =	vld [tilespmem:$0x300]  }
0xa6: {  	v14 =	vld [tilespmem:$0x310]  }
0xa7: {  	v17 =	vld [tilespmem:$0x320]  }
0xa8: {  	v18 =	vld [tilespmem:$0x330]  }
0xa9: {  	v21 =	vld [tilespmem:$0x340]  }
0xaa: {  	v22 =	vld [tilespmem:$0x350]  }
0xab: {  	v25 =	vld [tilespmem:$0x360]  }
0xac: {  	v26 =	vld [tilespmem:$0x370]  }
0xad: {  	v29 =	vld [tilespmem:$0x380]  }
0xae: {  	v30 =	vld [tilespmem:$0x390]  }
0xaf: {  	v33 =	vld [tilespmem:$0x3A0]  }
0xb0: {  	v34 =	vld [tilespmem:$0x3B0]  }
0xb1: {  	v37 =	vld [tilespmem:$0x3C0]  }
0xb2: {  	v38 =	vld [tilespmem:$0x3D0];
	v12 =	vand.u32 $0x7F, v13;
	v13 =	vshll.u32 v13, $0x3;
	v15 =	vshll.u32 v14, $0x3  }
0xb3: {  	v41 =	vld [tilespmem:$0x3E0];
	v14 =	vand.u32 $0x7F, v14;
	v16 =	vand.u32 $0x7F, v17;
	v17 =	vshll.u32 v17, $0x3  }
0xb4: {  	v42 =	vld [tilespmem:$0x3F0];
	v19 =	vshll.u32 v18, $0x3;
	v18 =	vand.u32 $0x7F, v18;
	v20 =	vand.u32 $0x7F, v21  }
0xb5: {  	v45 =	vld [tilespmem:$0x400];
	v21 =	vshll.u32 v21, $0x3;
	v23 =	vshll.u32 v22, $0x3;
	v22 =	vand.u32 $0x7F, v22  }
0xb6: {  	v46 =	vld [tilespmem:$0x410];
	v24 =	vand.u32 $0x7F, v25;
	v25 =	vshll.u32 v25, $0x3;
	v27 =	vshll.u32 v26, $0x3  }
0xb7: {  	v49 =	vld [tilespmem:$0x420];
	v26 =	vand.u32 $0x7F, v26;
	v28 =	vand.u32 $0x7F, v29;
	v29 =	vshll.u32 v29, $0x3  }
0xb8: {  	v50 =	vld [tilespmem:$0x430];
	v31 =	vshll.u32 v30, $0x3;
	v30 =	vand.u32 $0x7F, v30;
	v32 =	vand.u32 $0x7F, v33  }
0xb9: {  	v53 =	vld [tilespmem:$0x440];
	v33 =	vshll.u32 v33, $0x3;
	v35 =	vshll.u32 v34, $0x3;
	v34 =	vand.u32 $0x7F, v34  }
0xba: {  	v54 =	vld [tilespmem:$0x450];
	v36 =	vand.u32 $0x7F, v37;
	v37 =	vshll.u32 v37, $0x3;
	v39 =	vshll.u32 v38, $0x3  }
0xbb: {  	v57 =	vld [tilespmem:$0x460];
	v38 =	vand.u32 $0x7F, v38;
	v40 =	vand.u32 $0x7F, v41;
	v41 =	vshll.u32 v41, $0x3  }
0xbc: {  	v58 =	vld [tilespmem:$0x470];
	v43 =	vshll.u32 v42, $0x3;
	v42 =	vand.u32 $0x7F, v42;
	v44 =	vand.u32 $0x7F, v45  }
0xbd: {  	v45 =	vshll.u32 v45, $0x3;
	v47 =	vshll.u32 v46, $0x3;
	v46 =	vand.u32 $0x7F, v46  }
0xbe: {  	v48 =	vand.u32 $0x7F, v49;
	v49 =	vshll.u32 v49, $0x3;
	v51 =	vshll.u32 v50, $0x3  }
0xbf: {  	v50 =	vand.u32 $0x7F, v50;
	v52 =	vand.u32 $0x7F, v53;
	v53 =	vshll.u32 v53, $0x3  }
0xc0: {  	v55 =	vshll.u32 v54, $0x3;
	v54 =	vand.u32 $0x7F, v54;
	v56 =	vand.u32 $0x7F, v57  }
0xc1: {  	v57 =	vshll.u32 v57, $0x3;
	v59 =	vshll.u32 v58, $0x3;
	v58 =	vand.u32 $0x7F, v58  }
0xc2: {  	v13 =	vand.u32 $0xFFFFFC00, v13;
	v15 =	vand.u32 $0xFFFFFC00, v15;
	v17 =	vand.u32 $0xFFFFFC00, v17  }
0xc3: {  	v19 =	vand.u32 $0xFFFFFC00, v19;
	v21 =	vand.u32 $0xFFFFFC00, v21;
	v23 =	vand.u32 $0xFFFFFC00, v23  }
0xc4: {  	v25 =	vand.u32 $0xFFFFFC00, v25;
	v27 =	vand.u32 $0xFFFFFC00, v27;
	v29 =	vand.u32 $0xFFFFFC00, v29  }
0xc5: {  	v31 =	vand.u32 $0xFFFFFC00, v31;
	v33 =	vand.u32 $0xFFFFFC00, v33;
	v35 =	vand.u32 $0xFFFFFC00, v35  }
0xc6: {  	v37 =	vand.u32 $0xFFFFFC00, v37;
	v39 =	vand.u32 $0xFFFFFC00, v39;
	v41 =	vand.u32 $0xFFFFFC00, v41  }
0xc7: {  	v43 =	vand.u32 $0xFFFFFC00, v43;
	v45 =	vand.u32 $0xFFFFFC00, v45;
	v47 =	vand.u32 $0xFFFFFC00, v47  }
0xc8: {  	v49 =	vand.u32 $0xFFFFFC00, v49;
	v51 =	vand.u32 $0xFFFFFC00, v51;
	v53 =	vand.u32 $0xFFFFFC00, v53  }
0xc9: {  	s17 =	simm.s32 $0x80;
	s16 =	simm.s32 $0x0;
	v55 =	vand.u32 $0xFFFFFC00, v55;
	v57 =	vand.u32 $0xFFFFFC00, v57;
	v59 =	vand.u32 $0xFFFFFC00, v59  }
.LBB2_5:
0xca: {  	v60 =	vmov s16  }
0xcb: {  	v61 =	vshll.u32 v60, $0x8  }
0xcc: {  	v60 =	vshll.u32 v60, $0x7;
	v61 =	vand.u32 $0x800, v61  }
0xcd: {  	v60 =	vand.u32 $0x300, v60;
	v62 =	vadd.s32 v13, v61  }
0xce: {  	v62 =	vor.u32 v60, v62  }
0xcf: {  	v62 =	vor.u32 v12, v62;
	_ =	sdelay $0x3  }
0xd0: {  	s18 =	sshrl.u32 s16, $0x3;
	v63 =	vadd.s32 v15, v61  }
0xd1: {  	s18 =	smul.u32 $0x3000, s18;
	v63 =	vor.u32 v60, v63;
	v62 =	vld.idx.msk [tilespmem:v62+s11+$0x0], $0xffff  }
0xd2: {  	v63 =	vor.u32 v14, v63  }
0xd3: {  	s19 =	sadd.s32 $0xFFFFFF80, s17;
	s20 =	sshra.s32 s18, $0x2  }
0xd4: {  	s21 =	sand.u32 $0x300, s19;
	s18 =	sadd.s32 $0x1480, s20  }
0xd5: {  	s19 =	sor.u32 s21, s18  }
0xd6: {  	[tilespmem:s19+$0x0] =	vst v62;
	v62 =	vadd.s32 v17, v61  }
0xd7: {  	v63 =	vld.idx.msk [tilespmem:v63+s11+$0x0], $0xffff;
	v62 =	vor.u32 v60, v62  }
0xd8: {  	v62 =	vor.u32 v16, v62;
	_ =	sdelay $0x3  }
0xd9: {  	[tilespmem:s19+$0x10] =	vst v63;
	v63 =	vadd.s32 v19, v61  }
0xda: {  	v62 =	vld.idx.msk [tilespmem:v62+s11+$0x0], $0xffff;
	v63 =	vor.u32 v60, v63  }
0xdb: {  	v63 =	vor.u32 v18, v63;
	_ =	sdelay $0x3  }
0xdc: {  	[tilespmem:s19+$0x20] =	vst v62;
	v62 =	vadd.s32 v21, v61  }
0xdd: {  	v63 =	vld.idx.msk [tilespmem:v63+s11+$0x0], $0xffff;
	v62 =	vor.u32 v60, v62  }
0xde: {  	v62 =	vor.u32 v20, v62;
	_ =	sdelay $0x3  }
0xdf: {  	[tilespmem:s19+$0x30] =	vst v63;
	v63 =	vadd.s32 v23, v61  }
0xe0: {  	v62 =	vld.idx.msk [tilespmem:v62+s11+$0x0], $0xffff;
	v63 =	vor.u32 v60, v63  }
0xe1: {  	v63 =	vor.u32 v22, v63;
	_ =	sdelay $0x3  }
0xe2: {  	[tilespmem:s19+$0x40] =	vst v62;
	v62 =	vadd.s32 v25, v61  }
0xe3: {  	v63 =	vld.idx.msk [tilespmem:v63+s11+$0x0], $0xffff;
	v62 =	vor.u32 v60, v62  }
0xe4: {  	v62 =	vor.u32 v24, v62;
	_ =	sdelay $0x3  }
0xe5: {  	[tilespmem:s19+$0x50] =	vst v63;
	v63 =	vadd.s32 v27, v61  }
0xe6: {  	v62 =	vld.idx.msk [tilespmem:v62+s11+$0x0], $0xffff;
	v63 =	vor.u32 v60, v63  }
0xe7: {  	v63 =	vor.u32 v26, v63;
	_ =	sdelay $0x3  }
0xe8: {  	[tilespmem:s19+$0x60] =	vst v62;
	v62 =	vadd.s32 v29, v61  }
0xe9: {  	v63 =	vld.idx.msk [tilespmem:v63+s11+$0x0], $0xffff;
	v62 =	vor.u32 v60, v62  }
0xea: {  	v62 =	vor.u32 v28, v62;
	_ =	sdelay $0x3  }
0xeb: {  	[tilespmem:s19+$0x70] =	vst v63;
	v63 =	vadd.s32 v31, v61  }
0xec: {  	v62 =	vld.idx.msk [tilespmem:v62+s11+$0x0], $0xffff;
	v63 =	vor.u32 v60, v63  }
0xed: {  	v63 =	vor.u32 v30, v63;
	_ =	sdelay $0x1  }
0xee: {  	s26 =	sadd.s32 $0x1880, s20  }
0xef: {  	s22 =	sor.u32 s21, s26  }
0xf0: {  	[tilespmem:s22+$0x0] =	vst v62;
	v62 =	vadd.s32 v33, v61  }
0xf1: {  	v63 =	vld.idx.msk [tilespmem:v63+s11+$0x0], $0xffff;
	v62 =	vor.u32 v60, v62  }
0xf2: {  	v62 =	vor.u32 v32, v62;
	_ =	sdelay $0x3  }
0xf3: {  	[tilespmem:s22+$0x10] =	vst v63;
	v63 =	vadd.s32 v35, v61  }
0xf4: {  	v62 =	vld.idx.msk [tilespmem:v62+s11+$0x0], $0xffff;
	v63 =	vor.u32 v60, v63  }
0xf5: {  	v63 =	vor.u32 v34, v63;
	_ =	sdelay $0x3  }
0xf6: {  	[tilespmem:s22+$0x20] =	vst v62;
	v62 =	vadd.s32 v37, v61  }
0xf7: {  	v63 =	vld.idx.msk [tilespmem:v63+s11+$0x0], $0xffff;
	v62 =	vor.u32 v60, v62  }
0xf8: {  	v62 =	vor.u32 v36, v62;
	_ =	sdelay $0x3  }
0xf9: {  	[tilespmem:s22+$0x30] =	vst v63;
	v63 =	vadd.s32 v39, v61  }
0xfa: {  	v62 =	vld.idx.msk [tilespmem:v62+s11+$0x0], $0xffff;
	v63 =	vor.u32 v60, v63  }
0xfb: {  	v63 =	vor.u32 v38, v63;
	_ =	sdelay $0x3  }
0xfc: {  	[tilespmem:s22+$0x40] =	vst v62;
	v62 =	vadd.s32 v41, v61  }
0xfd: {  	v63 =	vld.idx.msk [tilespmem:v63+s11+$0x0], $0xffff;
	v62 =	vor.u32 v60, v62  }
0xfe: {  	v62 =	vor.u32 v40, v62;
	_ =	sdelay $0x3  }
0xff: {  	[tilespmem:s22+$0x50] =	vst v63;
	v63 =	vadd.s32 v43, v61  }
0x100: {  	v62 =	vld.idx.msk [tilespmem:v62+s11+$0x0], $0xffff;
	v63 =	vor.u32 v60, v63  }
0x101: {  	v63 =	vor.u32 v42, v63;
	_ =	sdelay $0x3  }
0x102: {  	[tilespmem:s22+$0x60] =	vst v62;
	v62 =	vadd.s32 v45, v61  }
0x103: {  	v63 =	vld.idx.msk [tilespmem:v63+s11+$0x0], $0xffff;
	v62 =	vor.u32 v60, v62  }
0x104: {  	v62 =	vor.u32 v44, v62;
	_ =	sdelay $0x3  }
0x105: {  	[tilespmem:s22+$0x70] =	vst v63;
	v63 =	vadd.s32 v47, v61  }
0x106: {  	v62 =	vld.idx.msk [tilespmem:v62+s11+$0x0], $0xffff;
	v63 =	vor.u32 v60, v63  }
0x107: {  	v63 =	vor.u32 v46, v63;
	_ =	sdelay $0x1  }
0x108: {  	s20 =	sadd.s32 $0x1C80, s20  }
0x109: {  	s21 =	sor.u32 s21, s20  }
0x10a: {  	[tilespmem:s21+$0x0] =	vst v62;
	v62 =	vadd.s32 v49, v61  }
0x10b: {  	v63 =	vld.idx.msk [tilespmem:v63+s11+$0x0], $0xffff;
	v62 =	vor.u32 v60, v62  }
0x10c: {  	v62 =	vor.u32 v48, v62;
	_ =	sdelay $0x3  }
0x10d: {  	[tilespmem:s21+$0x10] =	vst v63;
	v63 =	vadd.s32 v51, v61  }
0x10e: {  	v62 =	vld.idx.msk [tilespmem:v62+s11+$0x0], $0xffff;
	v63 =	vor.u32 v60, v63  }
0x10f: {  	v63 =	vor.u32 v50, v63;
	_ =	sdelay $0x3  }
0x110: {  	[tilespmem:s21+$0x20] =	vst v62;
	v62 =	vadd.s32 v53, v61  }
0x111: {  	v63 =	vld.idx.msk [tilespmem:v63+s11+$0x0], $0xffff;
	v62 =	vor.u32 v60, v62  }
0x112: {  	v62 =	vor.u32 v52, v62;
	_ =	sdelay $0x3  }
0x113: {  	[tilespmem:s21+$0x30] =	vst v63;
	v63 =	vadd.s32 v55, v61  }
0x114: {  	v62 =	vld.idx.msk [tilespmem:v62+s11+$0x0], $0xffff;
	v63 =	vor.u32 v60, v63  }
0x115: {  	v63 =	vor.u32 v54, v63;
	_ =	sdelay $0x3  }
0x116: {  	[tilespmem:s21+$0x40] =	vst v62;
	v62 =	vadd.s32 v57, v61  }
0x117: {  	v63 =	vld.idx.msk [tilespmem:v63+s11+$0x0], $0xffff;
	v62 =	vor.u32 v60, v62  }
0x118: {  	v62 =	vor.u32 v56, v62;
	_ =	sdelay $0x3  }
0x119: {  	v61 =	vadd.s32 v59, v61;
	[tilespmem:s21+$0x50] =	vst v63  }
0x11a: {  	v60 =	vor.u32 v60, v61;
	v62 =	vld.idx.msk [tilespmem:v62+s11+$0x0], $0xffff  }
0x11b: {  	s28 =	sadd.s32 $0x1, s16;
	v60 =	vor.u32 v58, v60  }
0x11c: {  	v61 =	vmov s28  }
0x11d: {  	v63 =	vshll.u32 v61, $0x8  }
0x11e: {  	v61 =	vshll.u32 v61, $0x7;
	v63 =	vand.u32 $0x800, v63  }
0x11f: {  	v61 =	vand.u32 $0x380, v61;
	[tilespmem:s21+$0x60] =	vst v62;
	v62 =	vadd.s32 v13, v63  }
0x120: {  	v60 =	vld.idx.msk [tilespmem:v60+s11+$0x0], $0xffff;
	v62 =	vor.u32 v61, v62  }
0x121: {  	v62 =	vor.u32 v12, v62;
	_ =	sdelay $0x3  }
0x122: {  	[tilespmem:s21+$0x70] =	vst v60;
	v60 =	vadd.s32 v15, v63  }
0x123: {  	v62 =	vld.idx.msk [tilespmem:v62+s11+$0x0], $0xffff;
	v60 =	vor.u32 v61, v60  }
0x124: {  	v60 =	vor.u32 v14, v60;
	_ =	sdelay $0x1  }
0x125: {  	s29 =	sand.u32 $0x380, s17  }
0x126: {  	s18 =	sadd.s32 s29, s18  }
0x127: {  	[tilespmem:s18+$0x0] =	vst v62;
	v62 =	vadd.s32 v17, v63  }
0x128: {  	v60 =	vld.idx.msk [tilespmem:v60+s11+$0x0], $0xffff;
	v62 =	vor.u32 v61, v62  }
0x129: {  	v62 =	vor.u32 v16, v62;
	_ =	sdelay $0x3  }
0x12a: {  	[tilespmem:s18+$0x10] =	vst v60;
	v60 =	vadd.s32 v19, v63  }
0x12b: {  	v62 =	vld.idx.msk [tilespmem:v62+s11+$0x0], $0xffff;
	v60 =	vor.u32 v61, v60  }
0x12c: {  	v60 =	vor.u32 v18, v60;
	_ =	sdelay $0x3  }
0x12d: {  	[tilespmem:s18+$0x20] =	vst v62;
	v62 =	vadd.s32 v21, v63  }
0x12e: {  	v60 =	vld.idx.msk [tilespmem:v60+s11+$0x0], $0xffff;
	v62 =	vor.u32 v61, v62  }
0x12f: {  	v62 =	vor.u32 v20, v62;
	_ =	sdelay $0x3  }
0x130: {  	[tilespmem:s18+$0x30] =	vst v60;
	v60 =	vadd.s32 v23, v63  }
0x131: {  	v62 =	vld.idx.msk [tilespmem:v62+s11+$0x0], $0xffff;
	v60 =	vor.u32 v61, v60  }
0x132: {  	v60 =	vor.u32 v22, v60;
	_ =	sdelay $0x3  }
0x133: {  	[tilespmem:s18+$0x40] =	vst v62;
	v62 =	vadd.s32 v25, v63  }
0x134: {  	v60 =	vld.idx.msk [tilespmem:v60+s11+$0x0], $0xffff;
	v62 =	vor.u32 v61, v62  }
0x135: {  	v62 =	vor.u32 v24, v62;
	_ =	sdelay $0x3  }
0x136: {  	[tilespmem:s18+$0x50] =	vst v60;
	v60 =	vadd.s32 v27, v63  }
0x137: {  	v62 =	vld.idx.msk [tilespmem:v62+s11+$0x0], $0xffff;
	v60 =	vor.u32 v61, v60  }
0x138: {  	v60 =	vor.u32 v26, v60;
	_ =	sdelay $0x3  }
0x139: {  	[tilespmem:s18+$0x60] =	vst v62;
	v62 =	vadd.s32 v29, v63  }
0x13a: {  	v60 =	vld.idx.msk [tilespmem:v60+s11+$0x0], $0xffff;
	v62 =	vor.u32 v61, v62  }
0x13b: {  	v62 =	vor.u32 v28, v62;
	_ =	sdelay $0x3  }
0x13c: {  	[tilespmem:s18+$0x70] =	vst v60;
	v60 =	vadd.s32 v31, v63  }
0x13d: {  	v62 =	vld.idx.msk [tilespmem:v62+s11+$0x0], $0xffff;
	v60 =	vor.u32 v61, v60  }
0x13e: {  	v60 =	vor.u32 v30, v60;
	_ =	sdelay $0x2  }
0x13f: {  	s30 =	sadd.s32 s29, s26  }
0x140: {  	[tilespmem:s30+$0x0] =	vst v62;
	v62 =	vadd.s32 v33, v63  }
0x141: {  	v60 =	vld.idx.msk [tilespmem:v60+s11+$0x0], $0xffff;
	v62 =	vor.u32 v61, v62  }
0x142: {  	v62 =	vor.u32 v32, v62;
	_ =	sdelay $0x3  }
0x143: {  	[tilespmem:s30+$0x10] =	vst v60;
	v60 =	vadd.s32 v35, v63  }
0x144: {  	v62 =	vld.idx.msk [tilespmem:v62+s11+$0x0], $0xffff;
	v60 =	vor.u32 v61, v60  }
0x145: {  	v60 =	vor.u32 v34, v60;
	_ =	sdelay $0x3  }
0x146: {  	[tilespmem:s30+$0x20] =	vst v62;
	v62 =	vadd.s32 v37, v63  }
0x147: {  	v60 =	vld.idx.msk [tilespmem:v60+s11+$0x0], $0xffff;
	v62 =	vor.u32 v61, v62  }
0x148: {  	v62 =	vor.u32 v36, v62;
	_ =	sdelay $0x3  }
0x149: {  	[tilespmem:s30+$0x30] =	vst v60;
	v60 =	vadd.s32 v39, v63  }
0x14a: {  	v62 =	vld.idx.msk [tilespmem:v62+s11+$0x0], $0xffff;
	v60 =	vor.u32 v61, v60  }
0x14b: {  	v60 =	vor.u32 v38, v60;
	_ =	sdelay $0x3  }
0x14c: {  	[tilespmem:s30+$0x40] =	vst v62;
	v62 =	vadd.s32 v41, v63  }
0x14d: {  	v60 =	vld.idx.msk [tilespmem:v60+s11+$0x0], $0xffff;
	v62 =	vor.u32 v61, v62  }
0x14e: {  	v62 =	vor.u32 v40, v62;
	_ =	sdelay $0x3  }
0x14f: {  	[tilespmem:s30+$0x50] =	vst v60;
	v60 =	vadd.s32 v43, v63  }
0x150: {  	v62 =	vld.idx.msk [tilespmem:v62+s11+$0x0], $0xffff;
	v60 =	vor.u32 v61, v60  }
0x151: {  	v60 =	vor.u32 v42, v60;
	_ =	sdelay $0x3  }
0x152: {  	[tilespmem:s30+$0x60] =	vst v62;
	v62 =	vadd.s32 v45, v63  }
0x153: {  	v60 =	vld.idx.msk [tilespmem:v60+s11+$0x0], $0xffff;
	v62 =	vor.u32 v61, v62  }
0x154: {  	v62 =	vor.u32 v44, v62;
	_ =	sdelay $0x3  }
0x155: {  	[tilespmem:s30+$0x70] =	vst v60;
	v60 =	vadd.s32 v47, v63  }
0x156: {  	v62 =	vld.idx.msk [tilespmem:v62+s11+$0x0], $0xffff;
	v60 =	vor.u32 v61, v60  }
0x157: {  	v60 =	vor.u32 v46, v60;
	_ =	sdelay $0x2  }
0x158: {  	s31 =	sadd.s32 s29, s20  }
0x159: {  	[tilespmem:s31+$0x0] =	vst v62;
	v62 =	vadd.s32 v49, v63  }
0x15a: {  	v60 =	vld.idx.msk [tilespmem:v60+s11+$0x0], $0xffff;
	v62 =	vor.u32 v61, v62  }
0x15b: {  	v62 =	vor.u32 v48, v62;
	_ =	sdelay $0x3  }
0x15c: {  	[tilespmem:s31+$0x10] =	vst v60;
	v60 =	vadd.s32 v51, v63  }
0x15d: {  	v62 =	vld.idx.msk [tilespmem:v62+s11+$0x0], $0xffff;
	v60 =	vor.u32 v61, v60  }
0x15e: {  	v60 =	vor.u32 v50, v60;
	_ =	sdelay $0x3  }
0x15f: {  	[tilespmem:s31+$0x20] =	vst v62;
	v62 =	vadd.s32 v53, v63  }
0x160: {  	v60 =	vld.idx.msk [tilespmem:v60+s11+$0x0], $0xffff;
	v62 =	vor.u32 v61, v62  }
0x161: {  	v62 =	vor.u32 v52, v62;
	_ =	sdelay $0x3  }
0x162: {  	[tilespmem:s31+$0x30] =	vst v60;
	v60 =	vadd.s32 v55, v63  }
0x163: {  	v62 =	vld.idx.msk [tilespmem:v62+s11+$0x0], $0xffff;
	v60 =	vor.u32 v61, v60  }
0x164: {  	v60 =	vor.u32 v54, v60;
	_ =	sdelay $0x3  }
0x165: {  	[tilespmem:s31+$0x40] =	vst v62;
	v62 =	vadd.s32 v57, v63  }
0x166: {  	v60 =	vld.idx.msk [tilespmem:v60+s11+$0x0], $0xffff;
	v62 =	vor.u32 v61, v62  }
0x167: {  	v62 =	vor.u32 v56, v62;
	_ =	sdelay $0x3  }
0x168: {  	[tilespmem:s31+$0x50] =	vst v60;
	v60 =	vadd.s32 v59, v63  }
0x169: {  	v62 =	vld.idx.msk [tilespmem:v62+s11+$0x0], $0xffff;
	v60 =	vor.u32 v61, v60  }
0x16a: {  	v60 =	vor.u32 v58, v60;
	_ =	sdelay $0x3  }
0x16b: {  	[tilespmem:s31+$0x60] =	vst v62  }
0x16c: {  	p0 =	slt.u32 s16, $0xE;
	v60 =	vld.idx.msk [tilespmem:v60+s11+$0x0], $0xffff  }
.Ltmp2:
0x16d: {  	_ = 	snop;
	(pc) =	sbr.rel @p0 .LBB2_5-.Ltmp2, $2  }
0x16e: {  	_ =	sdelay $0x2  }
0x16f: {  	s17 =	sadd.s32 $0x100, s17;
	s16 =	sadd.s32 $0x2, s16;
	[tilespmem:s31+$0x70] =	vst v60  }
0x170: {  	s15 =	sadd.s32 $0x1, s15  }
0x171: {  	p0 =	sne.s32 s15, s7  }
.Ltmp3:
0x172: {  	_ = 	snop;
	(pc) =	sbr.rel @p0 .LBB2_2-.Ltmp3, $4  }
0x173: {  	[hbm4b:s6+s5] =	stream.linear.scatter [tilespmem:s14], [sflag:$0x2], $0x1800, $0x38;
	[tilespmem:$0x2C80] =	vst v63  }
0x174: {  	_ =	swait.ge [sflag:s8], $0x1800  }
0x175: {  	[sflag:s8] =	ssyncset.done $0x0  }
0x176: {  	[sflag:s8] =	ssyncadd.s32 $0xFFFFE800  }
.LBB2_7:
0x177: {  	_ =	sfence.sel $0x180000  }
0x178: {  	[bflag:$0x0] =	sbarrier.arrive $0xFFFF  }
0x179: {  	p0 =	sne.s32 s0, $0x0;
	_ =	strace $0x90000047  }
0x17a: {  	s0 =	sadd.s32 @!p0 $0x100000, s3;
	[bflag:$0x2] =	sbarrier.arrive $0xFFFF  }
0x17b: {  	[sflag:s0] =	ssyncadd.tile.s32 @!p0 $0x1;
	_ =	shalt  }
.Lfunc_end2:
_tile_overlayer_lowered:
.L_overlay_start_2:
0x17c: {  	(tag) =	ssettag $0x2  }
0x17d: {  	s0 =	rddreg [dreg:$0x0];
	s2 =	stileid.u32  }
0x17e: {  	s1 =	rddreg [dreg:$0x1];
	p0 =	sne.s32 s2, $0x0  }
0x17f: {  	s3 =	rddreg [dreg:$0x2];
	[bflag:$0x3] =	sbarrier.arrive $0xFFFF;
	s2 =	simm.s32 @!p0 $0x1C02  }
0x180: {  	[timem:s3], [sflag:s2] =	dma.local @!p0 [hbm:s0], s1  }
0x181: {  	s0 =	simm.s32 @!p0 $0x2  }
0x182: {  	_ =	swait.ge @!p0 [sflag:s0], s1  }
0x183: {  	s1 =	ssub.s32 @!p0 $0x0, s1;
	[sflag:s0] =	ssyncset.done @!p0 $0x0  }
0x184: {  	[sflag:s0] =	ssyncadd.s32 @!p0 s1  }
0x185: {  	[bflag:$0x3] =	sbarrier.arrive $0xFFFF  }
0x186: {  	_ =	shalt  }

</sc_bundles>
